<compile_context>
chip_gen: v7x
topology: tpu7x:2x2x1
jax: 0.10.2.dev20260603
libtpu: 0.0.44.dev20260713+nightly
codegen_flags: <defaults>
</compile_context>

<pallas_src>
import functools
import jax
import jax.numpy as jnp
from jax import lax
from jax.experimental import pallas as pallas
from jax.experimental.pallas import tpu as pltpu
from jax.experimental.pallas import tpu_sc as plsc

APn = 256
UEn = 2048
HID = 128
NS = 10

F32 = jnp.float32
BF16 = jnp.bfloat16
NC, NSC = 2, 16
M1_ROWS = APn // NSC
M3_ROWS = UEn // NSC


def _dg(a, b, dims):
    return jax.lax.dot_general(a, b, (dims, ((), ())),
                               preferred_element_type=F32)


def _mm(a, b):
    return _dg(a, b, ((1,), (0,)))


def _mm_nt(a, b):
    return _dg(a, b, ((1,), (1,)))



def _sc_mask_body(adjT_ue_hbm, adjT_ap_hbm, m1_hbm, m3_hbm,
                  adj_a_v, adj_b_v, buf1, buf3):
    wid = lax.axis_index("s") * NC + lax.axis_index("c")
    zvec = jnp.zeros((16,), F32)
    ones = jnp.ones((16,), F32)
    iota = lax.iota(jnp.int32, 16)

    blk = M1_ROWS * UEn

    @pallas.when(wid < NSC)
    def _build_m1():
        ta = wid
        pltpu.sync_copy(adjT_ap_hbm, adj_a_v)

        @plsc.parallel_loop(0, blk // 16)
        def _zero(i):
            buf1[pallas.ds(16 * i, 16)] = zvec

        for k in range(NS):
            plsc.store_scatter(
                buf1,
                [iota * UEn + adj_a_v[k, pallas.ds(M1_ROWS * ta, M1_ROWS)]],
                ones)
        pltpu.sync_copy(buf1, m1_hbm.at[pallas.ds(blk * ta, blk)])

    @pallas.when(wid >= NSC)
    def _build_m3():
        tb = wid - NSC
        pltpu.sync_copy(adjT_ue_hbm.at[:, pallas.ds(M3_ROWS * tb, M3_ROWS)],
                        adj_b_v)

        @plsc.parallel_loop(0, blk // 16)
        def _zero(i):
            buf3[pallas.ds(16 * i, 16)] = zvec

        for k in range(NS):
            for g in range(M3_ROWS // 16):
                plsc.store_scatter(
                    buf3,
                    [(iota + 16 * g) * APn + adj_b_v[k, pallas.ds(16 * g, 16)]],
                    ones)
        pltpu.sync_copy(buf3, m3_hbm.at[pallas.ds(blk * tb, blk)])


def _sc_masks(adjT_ue, adjT_ap):
    return pallas.kernel(
        _sc_mask_body,
        out_type=(jax.ShapeDtypeStruct((APn * UEn,), F32),
                  jax.ShapeDtypeStruct((UEn * APn,), F32)),
        mesh=plsc.VectorSubcoreMesh(core_axis_name="c", subcore_axis_name="s"),
        compiler_params=pltpu.CompilerParams(use_tc_tiling_on_sc=False,
                                             needs_layout_passes=False),
        scratch_types=[
            pltpu.VMEM((NS, APn), jnp.int32),
            pltpu.VMEM((NS, M3_ROWS), jnp.int32),
            pltpu.VMEM((M1_ROWS * UEn,), F32),
            pltpu.VMEM((M3_ROWS * APn,), F32),
        ],
    )(adjT_ue, adjT_ap)



def _tc_body(p_hbm, m1_hbm, m3_hbm,
             w1_hbm, w2_hbm, w3_hbm, w4_hbm, w5_hbm, out_ref,
             m1_v, m3_v, p_v, w1_v, w2_v, w3_v, w4_v, w5_v, sems):
    copies = []
    for i, (src, dst) in enumerate([
            (m1_hbm, m1_v), (m3_hbm, m3_v), (p_hbm, p_v),
            (w1_hbm, w1_v), (w2_hbm, w2_v), (w3_hbm, w3_v),
            (w4_hbm, w4_v), (w5_hbm, w5_v)]):
        cp = pltpu.make_async_copy(src, dst, sems.at[i])
        cp.start()
        copies.append(cp)

    copies[0].wait()
    copies[1].wait()
    m1 = m1_v[...].astype(BF16)
    m3 = m3_v[...].astype(BF16)

    m2T = jnp.minimum(_dg(m3, m1, ((0,), (1,))).astype(BF16), BF16(1.0))
    d2 = jnp.sum(m2T, axis=0).astype(F32)
    inv2 = (1.0 / (d2 + 1.0))[None, :]
    m4T = jnp.minimum(_dg(m1, m3, ((0,), (1,))).astype(BF16), BF16(1.0))

    for cp in copies[2:]:
        cp.wait()
    Pb = p_v[...].astype(BF16)
    W1 = w1_v[...].astype(BF16)
    W2 = w2_v[...].astype(BF16)
    W3 = w3_v[...].astype(BF16)
    W4 = w4_v[...].astype(BF16)
    W5 = w5_v[...].astype(BF16)

    s1 = _mm_nt(W1[:, :UEn], Pb)
    s2 = _mm_nt(W2[:, :UEn], Pb)
    s3 = _mm(W3[:, :APn], Pb)
    s4 = _mm(W4[:, :APn], Pb)
    t1 = _mm(W1[:, UEn:], Pb).astype(BF16)
    t2 = _mm_nt(W2[:, UEn:], Pb).astype(BF16)
    t3 = _mm_nt(W3[:, APn:], Pb).astype(BF16)
    u4 = _mm(W4[:, APn:], Pb).astype(BF16)

    ones8u = jnp.ones((8, UEn), BF16)
    ones8a = jnp.ones((8, APn), BF16)
    z1e = _mm_nt(jnp.concatenate([t1, ones8u], axis=0), m1)
    inv1 = 1.0 / (z1e[HID:HID + 1] + 1.0)
    x1 = jnp.maximum(s1 + z1e[:HID] * inv1, 0.0)
    x2 = jnp.maximum(s2 + _mm(t2, m2T) * inv2, 0.0)
    z3e = _mm_nt(jnp.concatenate([t3, ones8a], axis=0), m3)
    inv3 = 1.0 / (z3e[HID:HID + 1] + 1.0)
    x3 = jnp.maximum(s3 + z3e[:HID] * inv3, 0.0)
    z4e = _mm(jnp.concatenate([u4, ones8u], axis=0), m4T)
    inv4 = 1.0 / (z4e[HID:HID + 1] + 1.0)
    x4 = jnp.maximum(s4 + z4e[:HID] * inv4, 0.0)

    cat12 = jnp.concatenate([x1, x2], axis=0).astype(BF16)
    cat34 = jnp.concatenate([x3, x4], axis=0).astype(BF16)
    n5 = _mm_nt(cat34, m1).astype(BF16)
    x5 = jnp.maximum(_mm(W5[:, :2 * HID], cat12) +
                     _mm(W5[:, 2 * HID:], n5) * inv1, 0.0)
    out_ref[...] = x5


def _tc_forward(p, m1, m3, W1, W2, W3, W4, W5):
    hbm = pallas.BlockSpec(memory_space=pltpu.MemorySpace.HBM)
    return pallas.pallas_call(
        _tc_body,
        out_shape=jax.ShapeDtypeStruct((HID, APn), F32),
        in_specs=[hbm] * 8,
        scratch_shapes=[
            pltpu.VMEM((APn, UEn), F32),
            pltpu.VMEM((UEn, APn), F32),
            pltpu.VMEM((APn, UEn), F32),
            pltpu.VMEM((HID, UEn + APn), F32),
            pltpu.VMEM((HID, 2 * UEn), F32),
            pltpu.VMEM((HID, APn + UEn), F32),
            pltpu.VMEM((HID, 2 * APn), F32),
            pltpu.VMEM((HID, 4 * HID), F32),
            pltpu.SemaphoreType.DMA((8,)),
        ],
    )(p, m1, m3, W1, W2, W3, W4, W5)


def kernel(pl, require, adj_ue, adj_ap, W1, W2, W3, W4, W5):
    del require
    m1f, m3f = _sc_masks(adj_ue.T, adj_ap.T)
    return _tc_forward(pl, m1f.reshape(APn, UEn), m3f.reshape(UEn, APn),
                       W1, W2, W3, W4, W5)

# --- scband reference (transcript-rebuilt; emitter-appended) ---
"""Pipeline reference for scband-graph-sage-net-11751030521987 (READ-ONLY COPY).

The authoritative reference and input builder live on the scoring server;
editing this copy changes nothing except your own understanding.
"""

import jax, jax.numpy as jnp
import numpy as np

APn = 256
UEn = 2048
HID = 128
NS = 10


def _xavier(k, shape):
    fan = shape[0] + shape[1]
    bound = jnp.sqrt(6.0 / fan)
    return jax.random.uniform(k, shape, minval=-bound, maxval=bound, dtype=jnp.float32)


def setup_inputs(seed: int = 0) -> dict:
    key = jax.random.key(seed)
    ks = jax.random.split(key, 10)
    pl = jax.random.normal(ks[0], (APn, UEn), dtype=jnp.float32)
    require = jax.random.uniform(ks[1], (UEn,), dtype=jnp.float32)
    adj_ue = jax.random.randint(ks[2], (UEn, NS), 0, APn, dtype=jnp.int32)
    adj_ap = jax.random.randint(ks[3], (APn, NS), 0, UEn, dtype=jnp.int32)
    W1 = _xavier(ks[4], (HID, APn + UEn))   # layer1_AP_ord1: feat = AP_feat(UEn)+UE_feat(APn)
    W2 = _xavier(ks[5], (HID, 2 * UEn))     # layer1_AP_ord2: feat = 2*AP_feat
    W3 = _xavier(ks[6], (HID, APn + UEn))   # layer1_UE_ord1
    W4 = _xavier(ks[7], (HID, 2 * APn))     # layer1_UE_ord2: feat = 2*UE_feat
    W5 = _xavier(ks[8], (HID, 4 * HID))     # layer2_AP_ord1
    return {"pl": pl, "require": require, "adj_ue": adj_ue, "adj_ap": adj_ap,
            "W1": W1, "W2": W2, "W3": W3, "W4": W4, "W5": W5}


def _mean_layer(weight, self_feats, other_feature, neighs):
    # Faithful to Mean_layer.aggregator with attention_matrix=None, gcn=False:
    # dense 0/1 membership mask (scatter-set dedupes like Python sets),
    # row-normalized by (num_neigh + 1), then mask @ features (mean aggregation).
    B = self_feats.shape[0]
    N = other_feature.shape[0]
    rows = jnp.arange(B)[:, None]
    mask = jnp.zeros((B, N), dtype=other_feature.dtype).at[rows, neighs].set(1.0)
    num_neigh = mask.sum(axis=1, keepdims=True)
    mask = mask / (num_neigh + 1.0)
    neigh_feats = mask @ other_feature
    combined = jnp.concatenate([self_feats, neigh_feats], axis=1)
    return jax.nn.relu(weight @ combined.T)


def _forward(pl, require, W1, W2, W3, W4, W5, adj_ue, adj_ap):
    f_ap = pl        # [APn, UEn] features for AP nodes
    f_ue = pl.T      # [UEn, APn] features for UE nodes
    # layer1_AP_ord1: 'ap2ue', first order -> UE neighbors of each AP
    x1 = _mean_layer(W1, f_ap, f_ue, adj_ap)
    # layer1_AP_ord2: 'ap2ap', second order -> AP neighbors via AP->UE->AP
    neighs_ap2 = adj_ue[adj_ap].reshape(adj_ap.shape[0], -1)
    x2 = _mean_layer(W2, f_ap, f_ap, neighs_ap2)
    # layer1_UE_ord1: 'ue2ap', first order -> AP neighbors of each UE
    x3 = _mean_layer(W3, f_ue, f_ap, adj_ue)
    # layer1_UE_ord2: 'ue2ue', second order -> UE neighbors via UE->AP->UE
    neighs_ue2 = adj_ap[adj_ue].reshape(adj_ue.shape[0], -1)
    x4 = _mean_layer(W4, f_ue, f_ue, neighs_ue2)
    X_ap = jnp.concatenate([x1, x2], axis=0).T   # [APn, 2*HID]
    X_ue = jnp.concatenate([x3, x4], axis=0).T   # [UEn, 2*HID]
    # layer2_AP_ord1: 'ap2ue', first order on hidden embeddings
    x5 = _mean_layer(W5, X_ap, X_ue, adj_ap)     # [HID, APn]
    return x5


def reference(pl, require, adj_ue, adj_ap, W1, W2, W3, W4, W5):
    return _forward(pl, require, W1, W2, W3, W4, W5, adj_ue, adj_ap)


if False:  # reference __main__ guard neutralized (emitter)
    out = reference(**setup_inputs())
    print(out.shape)

if __name__ == "__main__":
    import jax
    _d = setup_inputs()
    print(jax.jit(kernel)(*tuple(_d.values())))

</pallas_src>

<mosaic_0001>
#map = affine_map<(d0, d1) -> (0, 0)>
#map1 = affine_map<(d0, d1) -> (0)>
module attributes {stable_mosaic.version = 14 : i64} {
  func.func @_sc_mask_body(%arg0: i32, %arg1: i32, %arg2: memref<10x2048xi32, #tpu.memory_space<hbm>>, %arg3: memref<10x256xi32, #tpu.memory_space<hbm>>, %arg4: memref<524288xf32, #tpu.memory_space<hbm>>, %arg5: memref<524288xf32, #tpu.memory_space<hbm>>, %arg6: memref<10x256xi32, #tpu.memory_space<vmem>>, %arg7: memref<10x128xi32, #tpu.memory_space<vmem>>, %arg8: memref<32768xf32, #tpu.memory_space<vmem>>, %arg9: memref<32768xf32, #tpu.memory_space<vmem>>) attributes {dimension_semantics = [#tpu.dimension_semantics<core_parallel>, #tpu.dimension_semantics<subcore_parallel>], iteration_bounds = array<i64: 2, 16>, scalar_prefetch = 0 : i64, scratch_operands = 4 : i64, tpu.core_type = #tpu.core_type<sc_vector_subcore>, window_params = [{transform_indices = #map}, {transform_indices = #map}, {transform_indices = #map1}, {transform_indices = #map1}]} {
    %mul3A = arith.constant 2 : i32
    %mul3A_0 = arith.muli %arg1, %mul3A : i32
    %add3A = arith.addi %mul3A_0, %arg0 : i32
    %broadcast_in_dim3A = arith.constant 0.000000e+00 : f32
    %broadcast_in_dim3A_1 = vector.broadcast %broadcast_in_dim3A : f32 to vector<16xf32>
    %broadcast_in_dim3A_2 = arith.constant 1.000000e+00 : f32
    %broadcast_in_dim3A_3 = vector.broadcast %broadcast_in_dim3A_2 : f32 to vector<16xf32>
    %iota3A = tpu.iota {dimensions = array<i32: 0>} : vector<16xi32>
    %lt3A = arith.constant 16 : i32
    %lt3A_4 = arith.cmpi slt, %add3A, %lt3A : i32
    %convert_element_type3A = arith.extui %lt3A_4 : i1 to i32
    %cond3A = arith.constant 0 : i32
    %cond3A_5 = arith.cmpi ne, %convert_element_type3A, %cond3A : i32
    scf.if %cond3A_5 {
      "tpu.region"() ({
        %run_scoped3A = tpu.sem_alloc : memref<!tpu.dma_semaphore, #tpu.memory_space<semaphore_mem>>
        tpu.enqueue_dma source(%arg3 : memref<10x256xi32, #tpu.memory_space<hbm>>) target(%arg6 : memref<10x256xi32, #tpu.memory_space<vmem>>) target_semaphore(%run_scoped3A : memref<!tpu.dma_semaphore, #tpu.memory_space<semaphore_mem>>)
        tpu.wait_dma2 semaphore(%run_scoped3A : memref<!tpu.dma_semaphore, #tpu.memory_space<semaphore_mem>>) src(%arg3 : memref<10x256xi32, #tpu.memory_space<hbm>>) dst(%arg6 : memref<10x256xi32, #tpu.memory_space<vmem>>)
        tpu.yield
      }) : () -> ()
      %parallel_loop3A = arith.constant 0 : i32
      %parallel_loop3A_10 = arith.constant 2048 : i32
      %parallel_loop3A_11 = arith.constant 1 : i32
      scf.for %parallel_loop3A_113 = %parallel_loop3A to %parallel_loop3A_10 step %parallel_loop3A_11  : i32 {
        %parallel_loop3A_114 = arith.constant 16 : i32
        %parallel_loop3A_115 = arith.muli %parallel_loop3A_114, %parallel_loop3A_113 : i32
        %parallel_loop3A_116 = arith.index_cast %parallel_loop3A_115 : i32 to index
        %parallel_loop3A_117 = tpu.vector_load %arg8[%parallel_loop3A_116] {strides = array<i32>} : memref<32768xf32, #tpu.memory_space<vmem>>, vector<16xf32>,
        tpu.vector_store %arg8[%parallel_loop3A_116], %broadcast_in_dim3A_1 {strides = array<i32>} : memref<32768xf32, #tpu.memory_space<vmem>>, vector<16xf32>,
      } {sc.loop_unroll_factor = 1 : i64, sc.parallel_access}
      %mul3A_12 = arith.constant 2048 : i32
      %mul3A_13 = vector.broadcast %mul3A_12 : i32 to vector<16xi32>
      %mul3A_14 = arith.muli %iota3A, %mul3A_13 : vector<16xi32>
      %mul3A_15 = arith.constant 16 : i32
      %mul3A_16 = arith.muli %mul3A_15, %add3A : i32
      %get3A = arith.constant 0 : i32
      %get3A_17 = arith.index_cast %get3A : i32 to index
      %get3A_18 = arith.index_cast %mul3A_16 : i32 to index
      %get3A_19 = tpu.vector_load %arg6[%get3A_17, %get3A_18] {strides = array<i32>} : memref<10x256xi32, #tpu.memory_space<vmem>>, vector<16xi32>,
      %add3A_20 = arith.addi %mul3A_14, %get3A_19 : vector<16xi32>
      tpu.vector_store_idx %arg8[%add3A_20], %broadcast_in_dim3A_3 : memref<32768xf32, #tpu.memory_space<vmem>>[vector<16xi32>], vector<16xf32>,
      %mul3A_21 = arith.constant 2048 : i32
      %mul3A_22 = vector.broadcast %mul3A_21 : i32 to vector<16xi32>
      %mul3A_23 = arith.muli %iota3A, %mul3A_22 : vector<16xi32>
      %mul3A_24 = arith.constant 16 : i32
      %mul3A_25 = arith.muli %mul3A_24, %add3A : i32
      %get3A_26 = arith.constant 1 : i32
      %get3A_27 = arith.index_cast %get3A_26 : i32 to index
      %get3A_28 = arith.index_cast %mul3A_25 : i32 to index
      %get3A_29 = tpu.vector_load %arg6[%get3A_27, %get3A_28] {strides = array<i32>} : memref<10x256xi32, #tpu.memory_space<vmem>>, vector<16xi32>,
      %add3A_30 = arith.addi %mul3A_23, %get3A_29 : vector<16xi32>
      tpu.vector_store_idx %arg8[%add3A_30], %broadcast_in_dim3A_3 : memref<32768xf32, #tpu.memory_space<vmem>>[vector<16xi32>], vector<16xf32>,
      %mul3A_31 = arith.constant 2048 : i32
      %mul3A_32 = vector.broadcast %mul3A_31 : i32 to vector<16xi32>
      %mul3A_33 = arith.muli %iota3A, %mul3A_32 : vector<16xi32>
      %mul3A_34 = arith.constant 16 : i32
      %mul3A_35 = arith.muli %mul3A_34, %add3A : i32
      %get3A_36 = arith.constant 2 : i32
      %get3A_37 = arith.index_cast %get3A_36 : i32 to index
      %get3A_38 = arith.index_cast %mul3A_35 : i32 to index
      %get3A_39 = tpu.vector_load %arg6[%get3A_37, %get3A_38] {strides = array<i32>} : memref<10x256xi32, #tpu.memory_space<vmem>>, vector<16xi32>,
      %add3A_40 = arith.addi %mul3A_33, %get3A_39 : vector<16xi32>
      tpu.vector_store_idx %arg8[%add3A_40], %broadcast_in_dim3A_3 : memref<32768xf32, #tpu.memory_space<vmem>>[vector<16xi32>], vector<16xf32>,
      %mul3A_41 = arith.constant 2048 : i32
      %mul3A_42 = vector.broadcast %mul3A_41 : i32 to vector<16xi32>
      %mul3A_43 = arith.muli %iota3A, %mul3A_42 : vector<16xi32>
      %mul3A_44 = arith.constant 16 : i32
      %mul3A_45 = arith.muli %mul3A_44, %add3A : i32
      %get3A_46 = arith.constant 3 : i32
      %get3A_47 = arith.index_cast %get3A_46 : i32 to index
      %get3A_48 = arith.index_cast %mul3A_45 : i32 to index
      %get3A_49 = tpu.vector_load %arg6[%get3A_47, %get3A_48] {strides = array<i32>} : memref<10x256xi32, #tpu.memory_space<vmem>>, vector<16xi32>,
      %add3A_50 = arith.addi %mul3A_43, %get3A_49 : vector<16xi32>
      tpu.vector_store_idx %arg8[%add3A_50], %broadcast_in_dim3A_3 : memref<32768xf32, #tpu.memory_space<vmem>>[vector<16xi32>], vector<16xf32>,
      %mul3A_51 = arith.constant 2048 : i32
      %mul3A_52 = vector.broadcast %mul3A_51 : i32 to vector<16xi32>
      %mul3A_53 = arith.muli %iota3A, %mul3A_52 : vector<16xi32>
      %mul3A_54 = arith.constant 16 : i32
      %mul3A_55 = arith.muli %mul3A_54, %add3A : i32
      %get3A_56 = arith.constant 4 : i32
      %get3A_57 = arith.index_cast %get3A_56 : i32 to index
      %get3A_58 = arith.index_cast %mul3A_55 : i32 to index
      %get3A_59 = tpu.vector_load %arg6[%get3A_57, %get3A_58] {strides = array<i32>} : memref<10x256xi32, #tpu.memory_space<vmem>>, vector<16xi32>,
      %add3A_60 = arith.addi %mul3A_53, %get3A_59 : vector<16xi32>
      tpu.vector_store_idx %arg8[%add3A_60], %broadcast_in_dim3A_3 : memref<32768xf32, #tpu.memory_space<vmem>>[vector<16xi32>], vector<16xf32>,
      %mul3A_61 = arith.constant 2048 : i32
      %mul3A_62 = vector.broadcast %mul3A_61 : i32 to vector<16xi32>
      %mul3A_63 = arith.muli %iota3A, %mul3A_62 : vector<16xi32>
      %mul3A_64 = arith.constant 16 : i32
      %mul3A_65 = arith.muli %mul3A_64, %add3A : i32
      %get3A_66 = arith.constant 5 : i32
      %get3A_67 = arith.index_cast %get3A_66 : i32 to index
      %get3A_68 = arith.index_cast %mul3A_65 : i32 to index
      %get3A_69 = tpu.vector_load %arg6[%get3A_67, %get3A_68] {strides = array<i32>} : memref<10x256xi32, #tpu.memory_space<vmem>>, vector<16xi32>,
      %add3A_70 = arith.addi %mul3A_63, %get3A_69 : vector<16xi32>
      tpu.vector_store_idx %arg8[%add3A_70], %broadcast_in_dim3A_3 : memref<32768xf32, #tpu.memory_space<vmem>>[vector<16xi32>], vector<16xf32>,
      %mul3A_71 = arith.constant 2048 : i32
      %mul3A_72 = vector.broadcast %mul3A_71 : i32 to vector<16xi32>
      %mul3A_73 = arith.muli %iota3A, %mul3A_72 : vector<16xi32>
      %mul3A_74 = arith.constant 16 : i32
      %mul3A_75 = arith.muli %mul3A_74, %add3A : i32
      %get3A_76 = arith.constant 6 : i32
      %get3A_77 = arith.index_cast %get3A_76 : i32 to index
      %get3A_78 = arith.index_cast %mul3A_75 : i32 to index
      %get3A_79 = tpu.vector_load %arg6[%get3A_77, %get3A_78] {strides = array<i32>} : memref<10x256xi32, #tpu.memory_space<vmem>>, vector<16xi32>,
      %add3A_80 = arith.addi %mul3A_73, %get3A_79 : vector<16xi32>
      tpu.vector_store_idx %arg8[%add3A_80], %broadcast_in_dim3A_3 : memref<32768xf32, #tpu.memory_space<vmem>>[vector<16xi32>], vector<16xf32>,
      %mul3A_81 = arith.constant 2048 : i32
      %mul3A_82 = vector.broadcast %mul3A_81 : i32 to vector<16xi32>
      %mul3A_83 = arith.muli %iota3A, %mul3A_82 : vector<16xi32>
      %mul3A_84 = arith.constant 16 : i32
      %mul3A_85 = arith.muli %mul3A_84, %add3A : i32
      %get3A_86 = arith.constant 7 : i32
      %get3A_87 = arith.index_cast %get3A_86 : i32 to index
      %get3A_88 = arith.index_cast %mul3A_85 : i32 to index
      %get3A_89 = tpu.vector_load %arg6[%get3A_87, %get3A_88] {strides = array<i32>} : memref<10x256xi32, #tpu.memory_space<vmem>>, vector<16xi32>,
      %add3A_90 = arith.addi %mul3A_83, %get3A_89 : vector<16xi32>
      tpu.vector_store_idx %arg8[%add3A_90], %broadcast_in_dim3A_3 : memref<32768xf32, #tpu.memory_space<vmem>>[vector<16xi32>], vector<16xf32>,
      %mul3A_91 = arith.constant 2048 : i32
      %mul3A_92 = vector.broadcast %mul3A_91 : i32 to vector<16xi32>
      %mul3A_93 = arith.muli %iota3A, %mul3A_92 : vector<16xi32>
      %mul3A_94 = arith.constant 16 : i32
      %mul3A_95 = arith.muli %mul3A_94, %add3A : i32
      %get3A_96 = arith.constant 8 : i32
      %get3A_97 = arith.index_cast %get3A_96 : i32 to index
      %get3A_98 = arith.index_cast %mul3A_95 : i32 to index
      %get3A_99 = tpu.vector_load %arg6[%get3A_97, %get3A_98] {strides = array<i32>} : memref<10x256xi32, #tpu.memory_space<vmem>>, vector<16xi32>,
      %add3A_100 = arith.addi %mul3A_93, %get3A_99 : vector<16xi32>
      tpu.vector_store_idx %arg8[%add3A_100], %broadcast_in_dim3A_3 : memref<32768xf32, #tpu.memory_space<vmem>>[vector<16xi32>], vector<16xf32>,
      %mul3A_101 = arith.constant 2048 : i32
      %mul3A_102 = vector.broadcast %mul3A_101 : i32 to vector<16xi32>
      %mul3A_103 = arith.muli %iota3A, %mul3A_102 : vector<16xi32>
      %mul3A_104 = arith.constant 16 : i32
      %mul3A_105 = arith.muli %mul3A_104, %add3A : i32
      %get3A_106 = arith.constant 9 : i32
      %get3A_107 = arith.index_cast %get3A_106 : i32 to index
      %get3A_108 = arith.index_cast %mul3A_105 : i32 to index
      %get3A_109 = tpu.vector_load %arg6[%get3A_107, %get3A_108] {strides = array<i32>} : memref<10x256xi32, #tpu.memory_space<vmem>>, vector<16xi32>,
      %add3A_110 = arith.addi %mul3A_103, %get3A_109 : vector<16xi32>
      tpu.vector_store_idx %arg8[%add3A_110], %broadcast_in_dim3A_3 : memref<32768xf32, #tpu.memory_space<vmem>>[vector<16xi32>], vector<16xf32>,
      %mul3A_111 = arith.constant 32768 : i32
      %mul3A_112 = arith.muli %mul3A_111, %add3A : i32
      "tpu.region"() ({
        %run_scoped3A = tpu.sem_alloc : memref<!tpu.dma_semaphore, #tpu.memory_space<semaphore_mem>>
        %dma_start3A = tpu.memref_slice %arg4[%mul3A_112] : memref<524288xf32, #tpu.memory_space<hbm>> -> memref<32768xf32, #tpu.memory_space<hbm>>
        %dma_start3A_113 = tpu.memref_slice %arg4[%mul3A_112] : memref<524288xf32, #tpu.memory_space<hbm>> -> memref<32768xf32, #tpu.memory_space<hbm>>
        tpu.enqueue_dma source(%arg8 : memref<32768xf32, #tpu.memory_space<vmem>>) target(%dma_start3A_113 : memref<32768xf32, #tpu.memory_space<hbm>>) target_semaphore(%run_scoped3A : memref<!tpu.dma_semaphore, #tpu.memory_space<semaphore_mem>>)
        %dma_wait3A = tpu.memref_slice %arg4[%mul3A_112] : memref<524288xf32, #tpu.memory_space<hbm>> -> memref<32768xf32, #tpu.memory_space<hbm>>
        %dma_wait3A_114 = tpu.memref_slice %arg4[%mul3A_112] : memref<524288xf32, #tpu.memory_space<hbm>> -> memref<32768xf32, #tpu.memory_space<hbm>>
        tpu.wait_dma2 semaphore(%run_scoped3A : memref<!tpu.dma_semaphore, #tpu.memory_space<semaphore_mem>>) src(%arg8 : memref<32768xf32, #tpu.memory_space<vmem>>) dst(%dma_wait3A_114 : memref<32768xf32, #tpu.memory_space<hbm>>)
        tpu.yield
      }) : () -> ()
    } else {
    }
    %ge3A = arith.constant 16 : i32
    %ge3A_6 = arith.cmpi sge, %add3A, %ge3A : i32
    %convert_element_type3A_7 = arith.extui %ge3A_6 : i1 to i32
    %cond3A_8 = arith.constant 0 : i32
    %cond3A_9 = arith.cmpi ne, %convert_element_type3A_7, %cond3A_8 : i32
    scf.if %cond3A_9 {
      %sub3A = arith.constant 16 : i32
      %sub3A_10 = arith.subi %add3A, %sub3A : i32
      %mul3A_11 = arith.constant 128 : i32
      %mul3A_12 = arith.muli %mul3A_11, %sub3A_10 : i32
      "tpu.region"() ({
        %run_scoped3A = tpu.sem_alloc : memref<!tpu.dma_semaphore, #tpu.memory_space<semaphore_mem>>
        %dma_start3A = arith.constant 0 : i32
        %dma_start3A_896 = tpu.memref_slice %arg2[%dma_start3A, %mul3A_12] : memref<10x2048xi32, #tpu.memory_space<hbm>> -> memref<10x128xi32, #tpu.memory_space<hbm>>
        %dma_start3A_897 = arith.constant 0 : i32
        %dma_start3A_898 = tpu.memref_slice %arg2[%dma_start3A_897, %mul3A_12] : memref<10x2048xi32, #tpu.memory_space<hbm>> -> memref<10x128xi32, #tpu.memory_space<hbm>>
        tpu.enqueue_dma source(%dma_start3A_898 : memref<10x128xi32, #tpu.memory_space<hbm>>) target(%arg7 : memref<10x128xi32, #tpu.memory_space<vmem>>) target_semaphore(%run_scoped3A : memref<!tpu.dma_semaphore, #tpu.memory_space<semaphore_mem>>)
        %dma_wait3A = arith.constant 0 : i32
        %dma_wait3A_899 = tpu.memref_slice %arg2[%dma_wait3A, %mul3A_12] : memref<10x2048xi32, #tpu.memory_space<hbm>> -> memref<10x128xi32, #tpu.memory_space<hbm>>
        %dma_wait3A_900 = arith.constant 0 : i32
        %dma_wait3A_901 = tpu.memref_slice %arg2[%dma_wait3A_900, %mul3A_12] : memref<10x2048xi32, #tpu.memory_space<hbm>> -> memref<10x128xi32, #tpu.memory_space<hbm>>
        tpu.wait_dma2 semaphore(%run_scoped3A : memref<!tpu.dma_semaphore, #tpu.memory_space<semaphore_mem>>) src(%dma_wait3A_901 : memref<10x128xi32, #tpu.memory_space<hbm>>) dst(%arg7 : memref<10x128xi32, #tpu.memory_space<vmem>>)
        tpu.yield
      }) : () -> ()
      %parallel_loop3A = arith.constant 0 : i32
      %parallel_loop3A_13 = arith.constant 2048 : i32
      %parallel_loop3A_14 = arith.constant 1 : i32
      scf.for %parallel_loop3A_896 = %parallel_loop3A to %parallel_loop3A_13 step %parallel_loop3A_14  : i32 {
        %parallel_loop3A_897 = arith.constant 16 : i32
        %parallel_loop3A_898 = arith.muli %parallel_loop3A_897, %parallel_loop3A_896 : i32
        %parallel_loop3A_899 = arith.index_cast %parallel_loop3A_898 : i32 to index
        %parallel_loop3A_900 = tpu.vector_load %arg9[%parallel_loop3A_899] {strides = array<i32>} : memref<32768xf32, #tpu.memory_space<vmem>>, vector<16xf32>,
        tpu.vector_store %arg9[%parallel_loop3A_899], %broadcast_in_dim3A_1 {strides = array<i32>} : memref<32768xf32, #tpu.memory_space<vmem>>, vector<16xf32>,
      } {sc.loop_unroll_factor = 1 : i64, sc.parallel_access}
      %add3A_15 = arith.constant 0 : i32
      %add3A_16 = vector.broadcast %add3A_15 : i32 to vector<16xi32>
      %add3A_17 = arith.addi %iota3A, %add3A_16 : vector<16xi32>
      %mul3A_18 = arith.constant 256 : i32
      %mul3A_19 = vector.broadcast %mul3A_18 : i32 to vector<16xi32>
      %mul3A_20 = arith.muli %add3A_17, %mul3A_19 : vector<16xi32>
      %get3A = arith.constant 0 : i32
      %get3A_21 = arith.index_cast %get3A : i32 to index
      %get3A_22 = arith.constant 0 : index
      %get3A_23 = tpu.vector_load %arg7[%get3A_21, %get3A_22] {strides = array<i32>} : memref<10x128xi32, #tpu.memory_space<vmem>>, vector<16xi32>,
      %add3A_24 = arith.addi %mul3A_20, %get3A_23 : vector<16xi32>
      tpu.vector_store_idx %arg9[%add3A_24], %broadcast_in_dim3A_3 : memref<32768xf32, #tpu.memory_space<vmem>>[vector<16xi32>], vector<16xf32>,
      %add3A_25 = arith.constant 16 : i32
      %add3A_26 = vector.broadcast %add3A_25 : i32 to vector<16xi32>
      %add3A_27 = arith.addi %iota3A, %add3A_26 : vector<16xi32>
      %mul3A_28 = arith.constant 256 : i32
      %mul3A_29 = vector.broadcast %mul3A_28 : i32 to vector<16xi32>
      %mul3A_30 = arith.muli %add3A_27, %mul3A_29 : vector<16xi32>
      %get3A_31 = arith.constant 0 : i32
      %get3A_32 = arith.index_cast %get3A_31 : i32 to index
      %get3A_33 = arith.constant 16 : index
      %get3A_34 = tpu.vector_load %arg7[%get3A_32, %get3A_33] {strides = array<i32>} : memref<10x128xi32, #tpu.memory_space<vmem>>, vector<16xi32>,
      %add3A_35 = arith.addi %mul3A_30, %get3A_34 : vector<16xi32>
      tpu.vector_store_idx %arg9[%add3A_35], %broadcast_in_dim3A_3 : memref<32768xf32, #tpu.memory_space<vmem>>[vector<16xi32>], vector<16xf32>,
      %add3A_36 = arith.constant 32 : i32
      %add3A_37 = vector.broadcast %add3A_36 : i32 to vector<16xi32>
      %add3A_38 = arith.addi %iota3A, %add3A_37 : vector<16xi32>
      %mul3A_39 = arith.constant 256 : i32
      %mul3A_40 = vector.broadcast %mul3A_39 : i32 to vector<16xi32>
      %mul3A_41 = arith.muli %add3A_38, %mul3A_40 : vector<16xi32>
      %get3A_42 = arith.constant 0 : i32
      %get3A_43 = arith.index_cast %get3A_42 : i32 to index
      %get3A_44 = arith.constant 32 : index
      %get3A_45 = tpu.vector_load %arg7[%get3A_43, %get3A_44] {strides = array<i32>} : memref<10x128xi32, #tpu.memory_space<vmem>>, vector<16xi32>,
      %add3A_46 = arith.addi %mul3A_41, %get3A_45 : vector<16xi32>
      tpu.vector_store_idx %arg9[%add3A_46], %broadcast_in_dim3A_3 : memref<32768xf32, #tpu.memory_space<vmem>>[vector<16xi32>], vector<16xf32>,
      %add3A_47 = arith.constant 48 : i32
      %add3A_48 = vector.broadcast %add3A_47 : i32 to vector<16xi32>
      %add3A_49 = arith.addi %iota3A, %add3A_48 : vector<16xi32>
      %mul3A_50 = arith.constant 256 : i32
      %mul3A_51 = vector.broadcast %mul3A_50 : i32 to vector<16xi32>
      %mul3A_52 = arith.muli %add3A_49, %mul3A_51 : vector<16xi32>
      %get3A_53 = arith.constant 0 : i32
      %get3A_54 = arith.index_cast %get3A_53 : i32 to index
      %get3A_55 = arith.constant 48 : index
      %get3A_56 = tpu.vector_load %arg7[%get3A_54, %get3A_55] {strides = array<i32>} : memref<10x128xi32, #tpu.memory_space<vmem>>, vector<16xi32>,
      %add3A_57 = arith.addi %mul3A_52, %get3A_56 : vector<16xi32>
      tpu.vector_store_idx %arg9[%add3A_57], %broadcast_in_dim3A_3 : memref<32768xf32, #tpu.memory_space<vmem>>[vector<16xi32>], vector<16xf32>,
      %add3A_58 = arith.constant 64 : i32
      %add3A_59 = vector.broadcast %add3A_58 : i32 to vector<16xi32>
      %add3A_60 = arith.addi %iota3A, %add3A_59 : vector<16xi32>
      %mul3A_61 = arith.constant 256 : i32
      %mul3A_62 = vector.broadcast %mul3A_61 : i32 to vector<16xi32>
      %mul3A_63 = arith.muli %add3A_60, %mul3A_62 : vector<16xi32>
      %get3A_64 = arith.constant 0 : i32
      %get3A_65 = arith.index_cast %get3A_64 : i32 to index
      %get3A_66 = arith.constant 64 : index
      %get3A_67 = tpu.vector_load %arg7[%get3A_65, %get3A_66] {strides = array<i32>} : memref<10x128xi32, #tpu.memory_space<vmem>>, vector<16xi32>,
      %add3A_68 = arith.addi %mul3A_63, %get3A_67 : vector<16xi32>
      tpu.vector_store_idx %arg9[%add3A_68], %broadcast_in_dim3A_3 : memref<32768xf32, #tpu.memory_space<vmem>>[vector<16xi32>], vector<16xf32>,
      %add3A_69 = arith.constant 80 : i32
      %add3A_70 = vector.broadcast %add3A_69 : i32 to vector<16xi32>
      %add3A_71 = arith.addi %iota3A, %add3A_70 : vector<16xi32>
      %mul3A_72 = arith.constant 256 : i32
      %mul3A_73 = vector.broadcast %mul3A_72 : i32 to vector<16xi32>
      %mul3A_74 = arith.muli %add3A_71, %mul3A_73 : vector<16xi32>
      %get3A_75 = arith.constant 0 : i32
      %get3A_76 = arith.index_cast %get3A_75 : i32 to index
      %get3A_77 = arith.constant 80 : index
      %get3A_78 = tpu.vector_load %arg7[%get3A_76, %get3A_77] {strides = array<i32>} : memref<10x128xi32, #tpu.memory_space<vmem>>, vector<16xi32>,
      %add3A_79 = arith.addi %mul3A_74, %get3A_78 : vector<16xi32>
      tpu.vector_store_idx %arg9[%add3A_79], %broadcast_in_dim3A_3 : memref<32768xf32, #tpu.memory_space<vmem>>[vector<16xi32>], vector<16xf32>,
      %add3A_80 = arith.constant 96 : i32
      %add3A_81 = vector.broadcast %add3A_80 : i32 to vector<16xi32>
      %add3A_82 = arith.addi %iota3A, %add3A_81 : vector<16xi32>
      %mul3A_83 = arith.constant 256 : i32
      %mul3A_84 = vector.broadcast %mul3A_83 : i32 to vector<16xi32>
      %mul3A_85 = arith.muli %add3A_82, %mul3A_84 : vector<16xi32>
      %get3A_86 = arith.constant 0 : i32
      %get3A_87 = arith.index_cast %get3A_86 : i32 to index
      %get3A_88 = arith.constant 96 : index
      %get3A_89 = tpu.vector_load %arg7[%get3A_87, %get3A_88] {strides = array<i32>} : memref<10x128xi32, #tpu.memory_space<vmem>>, vector<16xi32>,
      %add3A_90 = arith.addi %mul3A_85, %get3A_89 : vector<16xi32>
      tpu.vector_store_idx %arg9[%add3A_90], %broadcast_in_dim3A_3 : memref<32768xf32, #tpu.memory_space<vmem>>[vector<16xi32>], vector<16xf32>,
      %add3A_91 = arith.constant 112 : i32
      %add3A_92 = vector.broadcast %add3A_91 : i32 to vector<16xi32>
      %add3A_93 = arith.addi %iota3A, %add3A_92 : vector<16xi32>
      %mul3A_94 = arith.constant 256 : i32
      %mul3A_95 = vector.broadcast %mul3A_94 : i32 to vector<16xi32>
      %mul3A_96 = arith.muli %add3A_93, %mul3A_95 : vector<16xi32>
      %get3A_97 = arith.constant 0 : i32
      %get3A_98 = arith.index_cast %get3A_97 : i32 to index
      %get3A_99 = arith.constant 112 : index
      %get3A_100 = tpu.vector_load %arg7[%get3A_98, %get3A_99] {strides = array<i32>} : memref<10x128xi32, #tpu.memory_space<vmem>>, vector<16xi32>,
      %add3A_101 = arith.addi %mul3A_96, %get3A_100 : vector<16xi32>
      tpu.vector_store_idx %arg9[%add3A_101], %broadcast_in_dim3A_3 : memref<32768xf32, #tpu.memory_space<vmem>>[vector<16xi32>], vector<16xf32>,
      %add3A_102 = arith.constant 0 : i32
      %add3A_103 = vector.broadcast %add3A_102 : i32 to vector<16xi32>
      %add3A_104 = arith.addi %iota3A, %add3A_103 : vector<16xi32>
      %mul3A_105 = arith.constant 256 : i32
      %mul3A_106 = vector.broadcast %mul3A_105 : i32 to vector<16xi32>
      %mul3A_107 = arith.muli %add3A_104, %mul3A_106 : vector<16xi32>
      %get3A_108 = arith.constant 1 : i32
      %get3A_109 = arith.index_cast %get3A_108 : i32 to index
      %get3A_110 = arith.constant 0 : index
      %get3A_111 = tpu.vector_load %arg7[%get3A_109, %get3A_110] {strides = array<i32>} : memref<10x128xi32, #tpu.memory_space<vmem>>, vector<16xi32>,
      %add3A_112 = arith.addi %mul3A_107, %get3A_111 : vector<16xi32>
      tpu.vector_store_idx %arg9[%add3A_112], %broadcast_in_dim3A_3 : memref<32768xf32, #tpu.memory_space<vmem>>[vector<16xi32>], vector<16xf32>,
      %add3A_113 = arith.constant 16 : i32
      %add3A_114 = vector.broadcast %add3A_113 : i32 to vector<16xi32>
      %add3A_115 = arith.addi %iota3A, %add3A_114 : vector<16xi32>
      %mul3A_116 = arith.constant 256 : i32
      %mul3A_117 = vector.broadcast %mul3A_116 : i32 to vector<16xi32>
      %mul3A_118 = arith.muli %add3A_115, %mul3A_117 : vector<16xi32>
      %get3A_119 = arith.constant 1 : i32
      %get3A_120 = arith.index_cast %get3A_119 : i32 to index
      %get3A_121 = arith.constant 16 : index
      %get3A_122 = tpu.vector_load %arg7[%get3A_120, %get3A_121] {strides = array<i32>} : memref<10x128xi32, #tpu.memory_space<vmem>>, vector<16xi32>,
      %add3A_123 = arith.addi %mul3A_118, %get3A_122 : vector<16xi32>
      tpu.vector_store_idx %arg9[%add3A_123], %broadcast_in_dim3A_3 : memref<32768xf32, #tpu.memory_space<vmem>>[vector<16xi32>], vector<16xf32>,
      %add3A_124 = arith.constant 32 : i32
      %add3A_125 = vector.broadcast %add3A_124 : i32 to vector<16xi32>
      %add3A_126 = arith.addi %iota3A, %add3A_125 : vector<16xi32>
      %mul3A_127 = arith.constant 256 : i32
      %mul3A_128 = vector.broadcast %mul3A_127 : i32 to vector<16xi32>
      %mul3A_129 = arith.muli %add3A_126, %mul3A_128 : vector<16xi32>
      %get3A_130 = arith.constant 1 : i32
      %get3A_131 = arith.index_cast %get3A_130 : i32 to index
      %get3A_132 = arith.constant 32 : index
      %get3A_133 = tpu.vector_load %arg7[%get3A_131, %get3A_132] {strides = array<i32>} : memref<10x128xi32, #tpu.memory_space<vmem>>, vector<16xi32>,
      %add3A_134 = arith.addi %mul3A_129, %get3A_133 : vector<16xi32>
      tpu.vector_store_idx %arg9[%add3A_134], %broadcast_in_dim3A_3 : memref<32768xf32, #tpu.memory_space<vmem>>[vector<16xi32>], vector<16xf32>,
      %add3A_135 = arith.constant 48 : i32
      %add3A_136 = vector.broadcast %add3A_135 : i32 to vector<16xi32>
      %add3A_137 = arith.addi %iota3A, %add3A_136 : vector<16xi32>
      %mul3A_138 = arith.constant 256 : i32
      %mul3A_139 = vector.broadcast %mul3A_138 : i32 to vector<16xi32>
      %mul3A_140 = arith.muli %add3A_137, %mul3A_139 : vector<16xi32>
      %get3A_141 = arith.constant 1 : i32
      %get3A_142 = arith.index_cast %get3A_141 : i32 to index
      %get3A_143 = arith.constant 48 : index
      %get3A_144 = tpu.vector_load %arg7[%get3A_142, %get3A_143] {strides = array<i32>} : memref<10x128xi32, #tpu.memory_space<vmem>>, vector<16xi32>,
      %add3A_145 = arith.addi %mul3A_140, %get3A_144 : vector<16xi32>
      tpu.vector_store_idx %arg9[%add3A_145], %broadcast_in_dim3A_3 : memref<32768xf32, #tpu.memory_space<vmem>>[vector<16xi32>], vector<16xf32>,
      %add3A_146 = arith.constant 64 : i32
      %add3A_147 = vector.broadcast %add3A_146 : i32 to vector<16xi32>
      %add3A_148 = arith.addi %iota3A, %add3A_147 : vector<16xi32>
      %mul3A_149 = arith.constant 256 : i32
      %mul3A_150 = vector.broadcast %mul3A_149 : i32 to vector<16xi32>
      %mul3A_151 = arith.muli %add3A_148, %mul3A_150 : vector<16xi32>
      %get3A_152 = arith.constant 1 : i32
      %get3A_153 = arith.index_cast %get3A_152 : i32 to index
      %get3A_154 = arith.constant 64 : index
      %get3A_155 = tpu.vector_load %arg7[%get3A_153, %get3A_154] {strides = array<i32>} : memref<10x128xi32, #tpu.memory_space<vmem>>, vector<16xi32>,
      %add3A_156 = arith.addi %mul3A_151, %get3A_155 : vector<16xi32>
      tpu.vector_store_idx %arg9[%add3A_156], %broadcast_in_dim3A_3 : memref<32768xf32, #tpu.memory_space<vmem>>[vector<16xi32>], vector<16xf32>,
      %add3A_157 = arith.constant 80 : i32
      %add3A_158 = vector.broadcast %add3A_157 : i32 to vector<16xi32>
      %add3A_159 = arith.addi %iota3A, %add3A_158 : vector<16xi32>
      %mul3A_160 = arith.constant 256 : i32
      %mul3A_161 = vector.broadcast %mul3A_160 : i32 to vector<16xi32>
      %mul3A_162 = arith.muli %add3A_159, %mul3A_161 : vector<16xi32>
      %get3A_163 = arith.constant 1 : i32
      %get3A_164 = arith.index_cast %get3A_163 : i32 to index
      %get3A_165 = arith.constant 80 : index
      %get3A_166 = tpu.vector_load %arg7[%get3A_164, %get3A_165] {strides = array<i32>} : memref<10x128xi32, #tpu.memory_space<vmem>>, vector<16xi32>,
      %add3A_167 = arith.addi %mul3A_162, %get3A_166 : vector<16xi32>
      tpu.vector_store_idx %arg9[%add3A_167], %broadcast_in_dim3A_3 : memref<32768xf32, #tpu.memory_space<vmem>>[vector<16xi32>], vector<16xf32>,
      %add3A_168 = arith.constant 96 : i32
      %add3A_169 = vector.broadcast %add3A_168 : i32 to vector<16xi32>
      %add3A_170 = arith.addi %iota3A, %add3A_169 : vector<16xi32>
      %mul3A_171 = arith.constant 256 : i32
      %mul3A_172 = vector.broadcast %mul3A_171 : i32 to vector<16xi32>
      %mul3A_173 = arith.muli %add3A_170, %mul3A_172 : vector<16xi32>
      %get3A_174 = arith.constant 1 : i32
      %get3A_175 = arith.index_cast %get3A_174 : i32 to index
      %get3A_176 = arith.constant 96 : index
      %get3A_177 = tpu.vector_load %arg7[%get3A_175, %get3A_176] {strides = array<i32>} : memref<10x128xi32, #tpu.memory_space<vmem>>, vector<16xi32>,
      %add3A_178 = arith.addi %mul3A_173, %get3A_177 : vector<16xi32>
      tpu.vector_store_idx %arg9[%add3A_178], %broadcast_in_dim3A_3 : memref<32768xf32, #tpu.memory_space<vmem>>[vector<16xi32>], vector<16xf32>,
      %add3A_179 = arith.constant 112 : i32
      %add3A_180 = vector.broadcast %add3A_179 : i32 to vector<16xi32>
      %add3A_181 = arith.addi %iota3A, %add3A_180 : vector<16xi32>
      %mul3A_182 = arith.constant 256 : i32
      %mul3A_183 = vector.broadcast %mul3A_182 : i32 to vector<16xi32>
      %mul3A_184 = arith.muli %add3A_181, %mul3A_183 : vector<16xi32>
      %get3A_185 = arith.constant 1 : i32
      %get3A_186 = arith.index_cast %get3A_185 : i32 to index
      %get3A_187 = arith.constant 112 : index
      %get3A_188 = tpu.vector_load %arg7[%get3A_186, %get3A_187] {strides = array<i32>} : memref<10x128xi32, #tpu.memory_space<vmem>>, vector<16xi32>,
      %add3A_189 = arith.addi %mul3A_184, %get3A_188 : vector<16xi32>
      tpu.vector_store_idx %arg9[%add3A_189], %broadcast_in_dim3A_3 : memref<32768xf32, #tpu.memory_space<vmem>>[vector<16xi32>], vector<16xf32>,
      %add3A_190 = arith.constant 0 : i32
      %add3A_191 = vector.broadcast %add3A_190 : i32 to vector<16xi32>
      %add3A_192 = arith.addi %iota3A, %add3A_191 : vector<16xi32>
      %mul3A_193 = arith.constant 256 : i32
      %mul3A_194 = vector.broadcast %mul3A_193 : i32 to vector<16xi32>
      %mul3A_195 = arith.muli %add3A_192, %mul3A_194 : vector<16xi32>
      %get3A_196 = arith.constant 2 : i32
      %get3A_197 = arith.index_cast %get3A_196 : i32 to index
      %get3A_198 = arith.constant 0 : index
      %get3A_199 = tpu.vector_load %arg7[%get3A_197, %get3A_198] {strides = array<i32>} : memref<10x128xi32, #tpu.memory_space<vmem>>, vector<16xi32>,
      %add3A_200 = arith.addi %mul3A_195, %get3A_199 : vector<16xi32>
      tpu.vector_store_idx %arg9[%add3A_200], %broadcast_in_dim3A_3 : memref<32768xf32, #tpu.memory_space<vmem>>[vector<16xi32>], vector<16xf32>,
      %add3A_201 = arith.constant 16 : i32
      %add3A_202 = vector.broadcast %add3A_201 : i32 to vector<16xi32>
      %add3A_203 = arith.addi %iota3A, %add3A_202 : vector<16xi32>
      %mul3A_204 = arith.constant 256 : i32
      %mul3A_205 = vector.broadcast %mul3A_204 : i32 to vector<16xi32>
      %mul3A_206 = arith.muli %add3A_203, %mul3A_205 : vector<16xi32>
      %get3A_207 = arith.constant 2 : i32
      %get3A_208 = arith.index_cast %get3A_207 : i32 to index
      %get3A_209 = arith.constant 16 : index
      %get3A_210 = tpu.vector_load %arg7[%get3A_208, %get3A_209] {strides = array<i32>} : memref<10x128xi32, #tpu.memory_space<vmem>>, vector<16xi32>,
      %add3A_211 = arith.addi %mul3A_206, %get3A_210 : vector<16xi32>
      tpu.vector_store_idx %arg9[%add3A_211], %broadcast_in_dim3A_3 : memref<32768xf32, #tpu.memory_space<vmem>>[vector<16xi32>], vector<16xf32>,
      %add3A_212 = arith.constant 32 : i32
      %add3A_213 = vector.broadcast %add3A_212 : i32 to vector<16xi32>
      %add3A_214 = arith.addi %iota3A, %add3A_213 : vector<16xi32>
      %mul3A_215 = arith.constant 256 : i32
      %mul3A_216 = vector.broadcast %mul3A_215 : i32 to vector<16xi32>
      %mul3A_217 = arith.muli %add3A_214, %mul3A_216 : vector<16xi32>
      %get3A_218 = arith.constant 2 : i32
      %get3A_219 = arith.index_cast %get3A_218 : i32 to index
      %get3A_220 = arith.constant 32 : index
      %get3A_221 = tpu.vector_load %arg7[%get3A_219, %get3A_220] {strides = array<i32>} : memref<10x128xi32, #tpu.memory_space<vmem>>, vector<16xi32>,
      %add3A_222 = arith.addi %mul3A_217, %get3A_221 : vector<16xi32>
      tpu.vector_store_idx %arg9[%add3A_222], %broadcast_in_dim3A_3 : memref<32768xf32, #tpu.memory_space<vmem>>[vector<16xi32>], vector<16xf32>,
      %add3A_223 = arith.constant 48 : i32
      %add3A_224 = vector.broadcast %add3A_223 : i32 to vector<16xi32>
      %add3A_225 = arith.addi %iota3A, %add3A_224 : vector<16xi32>
      %mul3A_226 = arith.constant 256 : i32
      %mul3A_227 = vector.broadcast %mul3A_226 : i32 to vector<16xi32>
      %mul3A_228 = arith.muli %add3A_225, %mul3A_227 : vector<16xi32>
      %get3A_229 = arith.constant 2 : i32
      %get3A_230 = arith.index_cast %get3A_229 : i32 to index
      %get3A_231 = arith.constant 48 : index
      %get3A_232 = tpu.vector_load %arg7[%get3A_230, %get3A_231] {strides = array<i32>} : memref<10x128xi32, #tpu.memory_space<vmem>>, vector<16xi32>,
      %add3A_233 = arith.addi %mul3A_228, %get3A_232 : vector<16xi32>
      tpu.vector_store_idx %arg9[%add3A_233], %broadcast_in_dim3A_3 : memref<32768xf32, #tpu.memory_space<vmem>>[vector<16xi32>], vector<16xf32>,
      %add3A_234 = arith.constant 64 : i32
      %add3A_235 = vector.broadcast %add3A_234 : i32 to vector<16xi32>
      %add3A_236 = arith.addi %iota3A, %add3A_235 : vector<16xi32>
      %mul3A_237 = arith.constant 256 : i32
      %mul3A_238 = vector.broadcast %mul3A_237 : i32 to vector<16xi32>
      %mul3A_239 = arith.muli %add3A_236, %mul3A_238 : vector<16xi32>
      %get3A_240 = arith.constant 2 : i32
      %get3A_241 = arith.index_cast %get3A_240 : i32 to index
      %get3A_242 = arith.constant 64 : index
      %get3A_243 = tpu.vector_load %arg7[%get3A_241, %get3A_242] {strides = array<i32>} : memref<10x128xi32, #tpu.memory_space<vmem>>, vector<16xi32>,
      %add3A_244 = arith.addi %mul3A_239, %get3A_243 : vector<16xi32>
      tpu.vector_store_idx %arg9[%add3A_244], %broadcast_in_dim3A_3 : memref<32768xf32, #tpu.memory_space<vmem>>[vector<16xi32>], vector<16xf32>,
      %add3A_245 = arith.constant 80 : i32
      %add3A_246 = vector.broadcast %add3A_245 : i32 to vector<16xi32>
      %add3A_247 = arith.addi %iota3A, %add3A_246 : vector<16xi32>
      %mul3A_248 = arith.constant 256 : i32
      %mul3A_249 = vector.broadcast %mul3A_248 : i32 to vector<16xi32>
      %mul3A_250 = arith.muli %add3A_247, %mul3A_249 : vector<16xi32>
      %get3A_251 = arith.constant 2 : i32
      %get3A_252 = arith.index_cast %get3A_251 : i32 to index
      %get3A_253 = arith.constant 80 : index
      %get3A_254 = tpu.vector_load %arg7[%get3A_252, %get3A_253] {strides = array<i32>} : memref<10x128xi32, #tpu.memory_space<vmem>>, vector<16xi32>,
      %add3A_255 = arith.addi %mul3A_250, %get3A_254 : vector<16xi32>
      tpu.vector_store_idx %arg9[%add3A_255], %broadcast_in_dim3A_3 : memref<32768xf32, #tpu.memory_space<vmem>>[vector<16xi32>], vector<16xf32>,
      %add3A_256 = arith.constant 96 : i32
      %add3A_257 = vector.broadcast %add3A_256 : i32 to vector<16xi32>
      %add3A_258 = arith.addi %iota3A, %add3A_257 : vector<16xi32>
      %mul3A_259 = arith.constant 256 : i32
      %mul3A_260 = vector.broadcast %mul3A_259 : i32 to vector<16xi32>
      %mul3A_261 = arith.muli %add3A_258, %mul3A_260 : vector<16xi32>
      %get3A_262 = arith.constant 2 : i32
      %get3A_263 = arith.index_cast %get3A_262 : i32 to index
      %get3A_264 = arith.constant 96 : index
      %get3A_265 = tpu.vector_load %arg7[%get3A_263, %get3A_264] {strides = array<i32>} : memref<10x128xi32, #tpu.memory_space<vmem>>, vector<16xi32>,
      %add3A_266 = arith.addi %mul3A_261, %get3A_265 : vector<16xi32>
      tpu.vector_store_idx %arg9[%add3A_266], %broadcast_in_dim3A_3 : memref<32768xf32, #tpu.memory_space<vmem>>[vector<16xi32>], vector<16xf32>,
      %add3A_267 = arith.constant 112 : i32
      %add3A_268 = vector.broadcast %add3A_267 : i32 to vector<16xi32>
      %add3A_269 = arith.addi %iota3A, %add3A_268 : vector<16xi32>
      %mul3A_270 = arith.constant 256 : i32
      %mul3A_271 = vector.broadcast %mul3A_270 : i32 to vector<16xi32>
      %mul3A_272 = arith.muli %add3A_269, %mul3A_271 : vector<16xi32>
      %get3A_273 = arith.constant 2 : i32
      %get3A_274 = arith.index_cast %get3A_273 : i32 to index
      %get3A_275 = arith.constant 112 : index
      %get3A_276 = tpu.vector_load %arg7[%get3A_274, %get3A_275] {strides = array<i32>} : memref<10x128xi32, #tpu.memory_space<vmem>>, vector<16xi32>,
      %add3A_277 = arith.addi %mul3A_272, %get3A_276 : vector<16xi32>
      tpu.vector_store_idx %arg9[%add3A_277], %broadcast_in_dim3A_3 : memref<32768xf32, #tpu.memory_space<vmem>>[vector<16xi32>], vector<16xf32>,
      %add3A_278 = arith.constant 0 : i32
      %add3A_279 = vector.broadcast %add3A_278 : i32 to vector<16xi32>
      %add3A_280 = arith.addi %iota3A, %add3A_279 : vector<16xi32>
      %mul3A_281 = arith.constant 256 : i32
      %mul3A_282 = vector.broadcast %mul3A_281 : i32 to vector<16xi32>
      %mul3A_283 = arith.muli %add3A_280, %mul3A_282 : vector<16xi32>
      %get3A_284 = arith.constant 3 : i32
      %get3A_285 = arith.index_cast %get3A_284 : i32 to index
      %get3A_286 = arith.constant 0 : index
      %get3A_287 = tpu.vector_load %arg7[%get3A_285, %get3A_286] {strides = array<i32>} : memref<10x128xi32, #tpu.memory_space<vmem>>, vector<16xi32>,
      %add3A_288 = arith.addi %mul3A_283, %get3A_287 : vector<16xi32>
      tpu.vector_store_idx %arg9[%add3A_288], %broadcast_in_dim3A_3 : memref<32768xf32, #tpu.memory_space<vmem>>[vector<16xi32>], vector<16xf32>,
      %add3A_289 = arith.constant 16 : i32
      %add3A_290 = vector.broadcast %add3A_289 : i32 to vector<16xi32>
      %add3A_291 = arith.addi %iota3A, %add3A_290 : vector<16xi32>
      %mul3A_292 = arith.constant 256 : i32
      %mul3A_293 = vector.broadcast %mul3A_292 : i32 to vector<16xi32>
      %mul3A_294 = arith.muli %add3A_291, %mul3A_293 : vector<16xi32>
      %get3A_295 = arith.constant 3 : i32
      %get3A_296 = arith.index_cast %get3A_295 : i32 to index
      %get3A_297 = arith.constant 16 : index
      %get3A_298 = tpu.vector_load %arg7[%get3A_296, %get3A_297] {strides = array<i32>} : memref<10x128xi32, #tpu.memory_space<vmem>>, vector<16xi32>,
      %add3A_299 = arith.addi %mul3A_294, %get3A_298 : vector<16xi32>
      tpu.vector_store_idx %arg9[%add3A_299], %broadcast_in_dim3A_3 : memref<32768xf32, #tpu.memory_space<vmem>>[vector<16xi32>], vector<16xf32>,
      %add3A_300 = arith.constant 32 : i32
      %add3A_301 = vector.broadcast %add3A_300 : i32 to vector<16xi32>
      %add3A_302 = arith.addi %iota3A, %add3A_301 : vector<16xi32>
      %mul3A_303 = arith.constant 256 : i32
      %mul3A_304 = vector.broadcast %mul3A_303 : i32 to vector<16xi32>
      %mul3A_305 = arith.muli %add3A_302, %mul3A_304 : vector<16xi32>
      %get3A_306 = arith.constant 3 : i32
      %get3A_307 = arith.index_cast %get3A_306 : i32 to index
      %get3A_308 = arith.constant 32 : index
      %get3A_309 = tpu.vector_load %arg7[%get3A_307, %get3A_308] {strides = array<i32>} : memref<10x128xi32, #tpu.memory_space<vmem>>, vector<16xi32>,
      %add3A_310 = arith.addi %mul3A_305, %get3A_309 : vector<16xi32>
      tpu.vector_store_idx %arg9[%add3A_310], %broadcast_in_dim3A_3 : memref<32768xf32, #tpu.memory_space<vmem>>[vector<16xi32>], vector<16xf32>,
      %add3A_311 = arith.constant 48 : i32
      %add3A_312 = vector.broadcast %add3A_311 : i32 to vector<16xi32>
      %add3A_313 = arith.addi %iota3A, %add3A_312 : vector<16xi32>
      %mul3A_314 = arith.constant 256 : i32
      %mul3A_315 = vector.broadcast %mul3A_314 : i32 to vector<16xi32>
      %mul3A_316 = arith.muli %add3A_313, %mul3A_315 : vector<16xi32>
      %get3A_317 = arith.constant 3 : i32
      %get3A_318 = arith.index_cast %get3A_317 : i32 to index
      %get3A_319 = arith.constant 48 : index
      %get3A_320 = tpu.vector_load %arg7[%get3A_318, %get3A_319] {strides = array<i32>} : memref<10x128xi32, #tpu.memory_space<vmem>>, vector<16xi32>,
      %add3A_321 = arith.addi %mul3A_316, %get3A_320 : vector<16xi32>
      tpu.vector_store_idx %arg9[%add3A_321], %broadcast_in_dim3A_3 : memref<32768xf32, #tpu.memory_space<vmem>>[vector<16xi32>], vector<16xf32>,
      %add3A_322 = arith.constant 64 : i32
      %add3A_323 = vector.broadcast %add3A_322 : i32 to vector<16xi32>
      %add3A_324 = arith.addi %iota3A, %add3A_323 : vector<16xi32>
      %mul3A_325 = arith.constant 256 : i32
      %mul3A_326 = vector.broadcast %mul3A_325 : i32 to vector<16xi32>
      %mul3A_327 = arith.muli %add3A_324, %mul3A_326 : vector<16xi32>
      %get3A_328 = arith.constant 3 : i32
      %get3A_329 = arith.index_cast %get3A_328 : i32 to index
      %get3A_330 = arith.constant 64 : index
      %get3A_331 = tpu.vector_load %arg7[%get3A_329, %get3A_330] {strides = array<i32>} : memref<10x128xi32, #tpu.memory_space<vmem>>, vector<16xi32>,
      %add3A_332 = arith.addi %mul3A_327, %get3A_331 : vector<16xi32>
      tpu.vector_store_idx %arg9[%add3A_332], %broadcast_in_dim3A_3 : memref<32768xf32, #tpu.memory_space<vmem>>[vector<16xi32>], vector<16xf32>,
      %add3A_333 = arith.constant 80 : i32
      %add3A_334 = vector.broadcast %add3A_333 : i32 to vector<16xi32>
      %add3A_335 = arith.addi %iota3A, %add3A_334 : vector<16xi32>
      %mul3A_336 = arith.constant 256 : i32
      %mul3A_337 = vector.broadcast %mul3A_336 : i32 to vector<16xi32>
      %mul3A_338 = arith.muli %add3A_335, %mul3A_337 : vector<16xi32>
      %get3A_339 = arith.constant 3 : i32
      %get3A_340 = arith.index_cast %get3A_339 : i32 to index
      %get3A_341 = arith.constant 80 : index
      %get3A_342 = tpu.vector_load %arg7[%get3A_340, %get3A_341] {strides = array<i32>} : memref<10x128xi32, #tpu.memory_space<vmem>>, vector<16xi32>,
      %add3A_343 = arith.addi %mul3A_338, %get3A_342 : vector<16xi32>
      tpu.vector_store_idx %arg9[%add3A_343], %broadcast_in_dim3A_3 : memref<32768xf32, #tpu.memory_space<vmem>>[vector<16xi32>], vector<16xf32>,
      %add3A_344 = arith.constant 96 : i32
      %add3A_345 = vector.broadcast %add3A_344 : i32 to vector<16xi32>
      %add3A_346 = arith.addi %iota3A, %add3A_345 : vector<16xi32>
      %mul3A_347 = arith.constant 256 : i32
      %mul3A_348 = vector.broadcast %mul3A_347 : i32 to vector<16xi32>
      %mul3A_349 = arith.muli %add3A_346, %mul3A_348 : vector<16xi32>
      %get3A_350 = arith.constant 3 : i32
      %get3A_351 = arith.index_cast %get3A_350 : i32 to index
      %get3A_352 = arith.constant 96 : index
      %get3A_353 = tpu.vector_load %arg7[%get3A_351, %get3A_352] {strides = array<i32>} : memref<10x128xi32, #tpu.memory_space<vmem>>, vector<16xi32>,
      %add3A_354 = arith.addi %mul3A_349, %get3A_353 : vector<16xi32>
      tpu.vector_store_idx %arg9[%add3A_354], %broadcast_in_dim3A_3 : memref<32768xf32, #tpu.memory_space<vmem>>[vector<16xi32>], vector<16xf32>,
      %add3A_355 = arith.constant 112 : i32
      %add3A_356 = vector.broadcast %add3A_355 : i32 to vector<16xi32>
      %add3A_357 = arith.addi %iota3A, %add3A_356 : vector<16xi32>
      %mul3A_358 = arith.constant 256 : i32
      %mul3A_359 = vector.broadcast %mul3A_358 : i32 to vector<16xi32>
      %mul3A_360 = arith.muli %add3A_357, %mul3A_359 : vector<16xi32>
      %get3A_361 = arith.constant 3 : i32
      %get3A_362 = arith.index_cast %get3A_361 : i32 to index
      %get3A_363 = arith.constant 112 : index
      %get3A_364 = tpu.vector_load %arg7[%get3A_362, %get3A_363] {strides = array<i32>} : memref<10x128xi32, #tpu.memory_space<vmem>>, vector<16xi32>,
      %add3A_365 = arith.addi %mul3A_360, %get3A_364 : vector<16xi32>
      tpu.vector_store_idx %arg9[%add3A_365], %broadcast_in_dim3A_3 : memref<32768xf32, #tpu.memory_space<vmem>>[vector<16xi32>], vector<16xf32>,
      %add3A_366 = arith.constant 0 : i32
      %add3A_367 = vector.broadcast %add3A_366 : i32 to vector<16xi32>
      %add3A_368 = arith.addi %iota3A, %add3A_367 : vector<16xi32>
      %mul3A_369 = arith.constant 256 : i32
      %mul3A_370 = vector.broadcast %mul3A_369 : i32 to vector<16xi32>
      %mul3A_371 = arith.muli %add3A_368, %mul3A_370 : vector<16xi32>
      %get3A_372 = arith.constant 4 : i32
      %get3A_373 = arith.index_cast %get3A_372 : i32 to index
      %get3A_374 = arith.constant 0 : index
      %get3A_375 = tpu.vector_load %arg7[%get3A_373, %get3A_374] {strides = array<i32>} : memref<10x128xi32, #tpu.memory_space<vmem>>, vector<16xi32>,
      %add3A_376 = arith.addi %mul3A_371, %get3A_375 : vector<16xi32>
      tpu.vector_store_idx %arg9[%add3A_376], %broadcast_in_dim3A_3 : memref<32768xf32, #tpu.memory_space<vmem>>[vector<16xi32>], vector<16xf32>,
      %add3A_377 = arith.constant 16 : i32
      %add3A_378 = vector.broadcast %add3A_377 : i32 to vector<16xi32>
      %add3A_379 = arith.addi %iota3A, %add3A_378 : vector<16xi32>
      %mul3A_380 = arith.constant 256 : i32
      %mul3A_381 = vector.broadcast %mul3A_380 : i32 to vector<16xi32>
      %mul3A_382 = arith.muli %add3A_379, %mul3A_381 : vector<16xi32>
      %get3A_383 = arith.constant 4 : i32
      %get3A_384 = arith.index_cast %get3A_383 : i32 to index
      %get3A_385 = arith.constant 16 : index
      %get3A_386 = tpu.vector_load %arg7[%get3A_384, %get3A_385] {strides = array<i32>} : memref<10x128xi32, #tpu.memory_space<vmem>>, vector<16xi32>,
      %add3A_387 = arith.addi %mul3A_382, %get3A_386 : vector<16xi32>
      tpu.vector_store_idx %arg9[%add3A_387], %broadcast_in_dim3A_3 : memref<32768xf32, #tpu.memory_space<vmem>>[vector<16xi32>], vector<16xf32>,
      %add3A_388 = arith.constant 32 : i32
      %add3A_389 = vector.broadcast %add3A_388 : i32 to vector<16xi32>
      %add3A_390 = arith.addi %iota3A, %add3A_389 : vector<16xi32>
      %mul3A_391 = arith.constant 256 : i32
      %mul3A_392 = vector.broadcast %mul3A_391 : i32 to vector<16xi32>
      %mul3A_393 = arith.muli %add3A_390, %mul3A_392 : vector<16xi32>
      %get3A_394 = arith.constant 4 : i32
      %get3A_395 = arith.index_cast %get3A_394 : i32 to index
      %get3A_396 = arith.constant 32 : index
      %get3A_397 = tpu.vector_load %arg7[%get3A_395, %get3A_396] {strides = array<i32>} : memref<10x128xi32, #tpu.memory_space<vmem>>, vector<16xi32>,
      %add3A_398 = arith.addi %mul3A_393, %get3A_397 : vector<16xi32>
      tpu.vector_store_idx %arg9[%add3A_398], %broadcast_in_dim3A_3 : memref<32768xf32, #tpu.memory_space<vmem>>[vector<16xi32>], vector<16xf32>,
      %add3A_399 = arith.constant 48 : i32
      %add3A_400 = vector.broadcast %add3A_399 : i32 to vector<16xi32>
      %add3A_401 = arith.addi %iota3A, %add3A_400 : vector<16xi32>
      %mul3A_402 = arith.constant 256 : i32
      %mul3A_403 = vector.broadcast %mul3A_402 : i32 to vector<16xi32>
      %mul3A_404 = arith.muli %add3A_401, %mul3A_403 : vector<16xi32>
      %get3A_405 = arith.constant 4 : i32
      %get3A_406 = arith.index_cast %get3A_405 : i32 to index
      %get3A_407 = arith.constant 48 : index
      %get3A_408 = tpu.vector_load %arg7[%get3A_406, %get3A_407] {strides = array<i32>} : memref<10x128xi32, #tpu.memory_space<vmem>>, vector<16xi32>,
      %add3A_409 = arith.addi %mul3A_404, %get3A_408 : vector<16xi32>
      tpu.vector_store_idx %arg9[%add3A_409], %broadcast_in_dim3A_3 : memref<32768xf32, #tpu.memory_space<vmem>>[vector<16xi32>], vector<16xf32>,
      %add3A_410 = arith.constant 64 : i32
      %add3A_411 = vector.broadcast %add3A_410 : i32 to vector<16xi32>
      %add3A_412 = arith.addi %iota3A, %add3A_411 : vector<16xi32>
      %mul3A_413 = arith.constant 256 : i32
      %mul3A_414 = vector.broadcast %mul3A_413 : i32 to vector<16xi32>
      %mul3A_415 = arith.muli %add3A_412, %mul3A_414 : vector<16xi32>
      %get3A_416 = arith.constant 4 : i32
      %get3A_417 = arith.index_cast %get3A_416 : i32 to index
      %get3A_418 = arith.constant 64 : index
      %get3A_419 = tpu.vector_load %arg7[%get3A_417, %get3A_418] {strides = array<i32>} : memref<10x128xi32, #tpu.memory_space<vmem>>, vector<16xi32>,
      %add3A_420 = arith.addi %mul3A_415, %get3A_419 : vector<16xi32>
      tpu.vector_store_idx %arg9[%add3A_420], %broadcast_in_dim3A_3 : memref<32768xf32, #tpu.memory_space<vmem>>[vector<16xi32>], vector<16xf32>,
      %add3A_421 = arith.constant 80 : i32
      %add3A_422 = vector.broadcast %add3A_421 : i32 to vector<16xi32>
      %add3A_423 = arith.addi %iota3A, %add3A_422 : vector<16xi32>
      %mul3A_424 = arith.constant 256 : i32
      %mul3A_425 = vector.broadcast %mul3A_424 : i32 to vector<16xi32>
      %mul3A_426 = arith.muli %add3A_423, %mul3A_425 : vector<16xi32>
      %get3A_427 = arith.constant 4 : i32
      %get3A_428 = arith.index_cast %get3A_427 : i32 to index
      %get3A_429 = arith.constant 80 : index
      %get3A_430 = tpu.vector_load %arg7[%get3A_428, %get3A_429] {strides = array<i32>} : memref<10x128xi32, #tpu.memory_space<vmem>>, vector<16xi32>,
      %add3A_431 = arith.addi %mul3A_426, %get3A_430 : vector<16xi32>
      tpu.vector_store_idx %arg9[%add3A_431], %broadcast_in_dim3A_3 : memref<32768xf32, #tpu.memory_space<vmem>>[vector<16xi32>], vector<16xf32>,
      %add3A_432 = arith.constant 96 : i32
      %add3A_433 = vector.broadcast %add3A_432 : i32 to vector<16xi32>
      %add3A_434 = arith.addi %iota3A, %add3A_433 : vector<16xi32>
      %mul3A_435 = arith.constant 256 : i32
      %mul3A_436 = vector.broadcast %mul3A_435 : i32 to vector<16xi32>
      %mul3A_437 = arith.muli %add3A_434, %mul3A_436 : vector<16xi32>
      %get3A_438 = arith.constant 4 : i32
      %get3A_439 = arith.index_cast %get3A_438 : i32 to index
      %get3A_440 = arith.constant 96 : index
      %get3A_441 = tpu.vector_load %arg7[%get3A_439, %get3A_440] {strides = array<i32>} : memref<10x128xi32, #tpu.memory_space<vmem>>, vector<16xi32>,
      %add3A_442 = arith.addi %mul3A_437, %get3A_441 : vector<16xi32>
      tpu.vector_store_idx %arg9[%add3A_442], %broadcast_in_dim3A_3 : memref<32768xf32, #tpu.memory_space<vmem>>[vector<16xi32>], vector<16xf32>,
      %add3A_443 = arith.constant 112 : i32
      %add3A_444 = vector.broadcast %add3A_443 : i32 to vector<16xi32>
      %add3A_445 = arith.addi %iota3A, %add3A_444 : vector<16xi32>
      %mul3A_446 = arith.constant 256 : i32
      %mul3A_447 = vector.broadcast %mul3A_446 : i32 to vector<16xi32>
      %mul3A_448 = arith.muli %add3A_445, %mul3A_447 : vector<16xi32>
      %get3A_449 = arith.constant 4 : i32
      %get3A_450 = arith.index_cast %get3A_449 : i32 to index
      %get3A_451 = arith.constant 112 : index
      %get3A_452 = tpu.vector_load %arg7[%get3A_450, %get3A_451] {strides = array<i32>} : memref<10x128xi32, #tpu.memory_space<vmem>>, vector<16xi32>,
      %add3A_453 = arith.addi %mul3A_448, %get3A_452 : vector<16xi32>
      tpu.vector_store_idx %arg9[%add3A_453], %broadcast_in_dim3A_3 : memref<32768xf32, #tpu.memory_space<vmem>>[vector<16xi32>], vector<16xf32>,
      %add3A_454 = arith.constant 0 : i32
      %add3A_455 = vector.broadcast %add3A_454 : i32 to vector<16xi32>
      %add3A_456 = arith.addi %iota3A, %add3A_455 : vector<16xi32>
      %mul3A_457 = arith.constant 256 : i32
      %mul3A_458 = vector.broadcast %mul3A_457 : i32 to vector<16xi32>
      %mul3A_459 = arith.muli %add3A_456, %mul3A_458 : vector<16xi32>
      %get3A_460 = arith.constant 5 : i32
      %get3A_461 = arith.index_cast %get3A_460 : i32 to index
      %get3A_462 = arith.constant 0 : index
      %get3A_463 = tpu.vector_load %arg7[%get3A_461, %get3A_462] {strides = array<i32>} : memref<10x128xi32, #tpu.memory_space<vmem>>, vector<16xi32>,
      %add3A_464 = arith.addi %mul3A_459, %get3A_463 : vector<16xi32>
      tpu.vector_store_idx %arg9[%add3A_464], %broadcast_in_dim3A_3 : memref<32768xf32, #tpu.memory_space<vmem>>[vector<16xi32>], vector<16xf32>,
      %add3A_465 = arith.constant 16 : i32
      %add3A_466 = vector.broadcast %add3A_465 : i32 to vector<16xi32>
      %add3A_467 = arith.addi %iota3A, %add3A_466 : vector<16xi32>
      %mul3A_468 = arith.constant 256 : i32
      %mul3A_469 = vector.broadcast %mul3A_468 : i32 to vector<16xi32>
      %mul3A_470 = arith.muli %add3A_467, %mul3A_469 : vector<16xi32>
      %get3A_471 = arith.constant 5 : i32
      %get3A_472 = arith.index_cast %get3A_471 : i32 to index
      %get3A_473 = arith.constant 16 : index
      %get3A_474 = tpu.vector_load %arg7[%get3A_472, %get3A_473] {strides = array<i32>} : memref<10x128xi32, #tpu.memory_space<vmem>>, vector<16xi32>,
      %add3A_475 = arith.addi %mul3A_470, %get3A_474 : vector<16xi32>
      tpu.vector_store_idx %arg9[%add3A_475], %broadcast_in_dim3A_3 : memref<32768xf32, #tpu.memory_space<vmem>>[vector<16xi32>], vector<16xf32>,
      %add3A_476 = arith.constant 32 : i32
      %add3A_477 = vector.broadcast %add3A_476 : i32 to vector<16xi32>
      %add3A_478 = arith.addi %iota3A, %add3A_477 : vector<16xi32>
      %mul3A_479 = arith.constant 256 : i32
      %mul3A_480 = vector.broadcast %mul3A_479 : i32 to vector<16xi32>
      %mul3A_481 = arith.muli %add3A_478, %mul3A_480 : vector<16xi32>
      %get3A_482 = arith.constant 5 : i32
      %get3A_483 = arith.index_cast %get3A_482 : i32 to index
      %get3A_484 = arith.constant 32 : index
      %get3A_485 = tpu.vector_load %arg7[%get3A_483, %get3A_484] {strides = array<i32>} : memref<10x128xi32, #tpu.memory_space<vmem>>, vector<16xi32>,
      %add3A_486 = arith.addi %mul3A_481, %get3A_485 : vector<16xi32>
      tpu.vector_store_idx %arg9[%add3A_486], %broadcast_in_dim3A_3 : memref<32768xf32, #tpu.memory_space<vmem>>[vector<16xi32>], vector<16xf32>,
      %add3A_487 = arith.constant 48 : i32
      %add3A_488 = vector.broadcast %add3A_487 : i32 to vector<16xi32>
      %add3A_489 = arith.addi %iota3A, %add3A_488 : vector<16xi32>
      %mul3A_490 = arith.constant 256 : i32
      %mul3A_491 = vector.broadcast %mul3A_490 : i32 to vector<16xi32>
      %mul3A_492 = arith.muli %add3A_489, %mul3A_491 : vector<16xi32>
      %get3A_493 = arith.constant 5 : i32
      %get3A_494 = arith.index_cast %get3A_493 : i32 to index
      %get3A_495 = arith.constant 48 : index
      %get3A_496 = tpu.vector_load %arg7[%get3A_494, %get3A_495] {strides = array<i32>} : memref<10x128xi32, #tpu.memory_space<vmem>>, vector<16xi32>,
      %add3A_497 = arith.addi %mul3A_492, %get3A_496 : vector<16xi32>
      tpu.vector_store_idx %arg9[%add3A_497], %broadcast_in_dim3A_3 : memref<32768xf32, #tpu.memory_space<vmem>>[vector<16xi32>], vector<16xf32>,
      %add3A_498 = arith.constant 64 : i32
      %add3A_499 = vector.broadcast %add3A_498 : i32 to vector<16xi32>
      %add3A_500 = arith.addi %iota3A, %add3A_499 : vector<16xi32>
      %mul3A_501 = arith.constant 256 : i32
      %mul3A_502 = vector.broadcast %mul3A_501 : i32 to vector<16xi32>
      %mul3A_503 = arith.muli %add3A_500, %mul3A_502 : vector<16xi32>
      %get3A_504 = arith.constant 5 : i32
      %get3A_505 = arith.index_cast %get3A_504 : i32 to index
      %get3A_506 = arith.constant 64 : index
      %get3A_507 = tpu.vector_load %arg7[%get3A_505, %get3A_506] {strides = array<i32>} : memref<10x128xi32, #tpu.memory_space<vmem>>, vector<16xi32>,
      %add3A_508 = arith.addi %mul3A_503, %get3A_507 : vector<16xi32>
      tpu.vector_store_idx %arg9[%add3A_508], %broadcast_in_dim3A_3 : memref<32768xf32, #tpu.memory_space<vmem>>[vector<16xi32>], vector<16xf32>,
      %add3A_509 = arith.constant 80 : i32
      %add3A_510 = vector.broadcast %add3A_509 : i32 to vector<16xi32>
      %add3A_511 = arith.addi %iota3A, %add3A_510 : vector<16xi32>
      %mul3A_512 = arith.constant 256 : i32
      %mul3A_513 = vector.broadcast %mul3A_512 : i32 to vector<16xi32>
      %mul3A_514 = arith.muli %add3A_511, %mul3A_513 : vector<16xi32>
      %get3A_515 = arith.constant 5 : i32
      %get3A_516 = arith.index_cast %get3A_515 : i32 to index
      %get3A_517 = arith.constant 80 : index
      %get3A_518 = tpu.vector_load %arg7[%get3A_516, %get3A_517] {strides = array<i32>} : memref<10x128xi32, #tpu.memory_space<vmem>>, vector<16xi32>,
      %add3A_519 = arith.addi %mul3A_514, %get3A_518 : vector<16xi32>
      tpu.vector_store_idx %arg9[%add3A_519], %broadcast_in_dim3A_3 : memref<32768xf32, #tpu.memory_space<vmem>>[vector<16xi32>], vector<16xf32>,
      %add3A_520 = arith.constant 96 : i32
      %add3A_521 = vector.broadcast %add3A_520 : i32 to vector<16xi32>
      %add3A_522 = arith.addi %iota3A, %add3A_521 : vector<16xi32>
      %mul3A_523 = arith.constant 256 : i32
      %mul3A_524 = vector.broadcast %mul3A_523 : i32 to vector<16xi32>
      %mul3A_525 = arith.muli %add3A_522, %mul3A_524 : vector<16xi32>
      %get3A_526 = arith.constant 5 : i32
      %get3A_527 = arith.index_cast %get3A_526 : i32 to index
      %get3A_528 = arith.constant 96 : index
      %get3A_529 = tpu.vector_load %arg7[%get3A_527, %get3A_528] {strides = array<i32>} : memref<10x128xi32, #tpu.memory_space<vmem>>, vector<16xi32>,
      %add3A_530 = arith.addi %mul3A_525, %get3A_529 : vector<16xi32>
      tpu.vector_store_idx %arg9[%add3A_530], %broadcast_in_dim3A_3 : memref<32768xf32, #tpu.memory_space<vmem>>[vector<16xi32>], vector<16xf32>,
      %add3A_531 = arith.constant 112 : i32
      %add3A_532 = vector.broadcast %add3A_531 : i32 to vector<16xi32>
      %add3A_533 = arith.addi %iota3A, %add3A_532 : vector<16xi32>
      %mul3A_534 = arith.constant 256 : i32
      %mul3A_535 = vector.broadcast %mul3A_534 : i32 to vector<16xi32>
      %mul3A_536 = arith.muli %add3A_533, %mul3A_535 : vector<16xi32>
      %get3A_537 = arith.constant 5 : i32
      %get3A_538 = arith.index_cast %get3A_537 : i32 to index
      %get3A_539 = arith.constant 112 : index
      %get3A_540 = tpu.vector_load %arg7[%get3A_538, %get3A_539] {strides = array<i32>} : memref<10x128xi32, #tpu.memory_space<vmem>>, vector<16xi32>,
      %add3A_541 = arith.addi %mul3A_536, %get3A_540 : vector<16xi32>
      tpu.vector_store_idx %arg9[%add3A_541], %broadcast_in_dim3A_3 : memref<32768xf32, #tpu.memory_space<vmem>>[vector<16xi32>], vector<16xf32>,
      %add3A_542 = arith.constant 0 : i32
      %add3A_543 = vector.broadcast %add3A_542 : i32 to vector<16xi32>
      %add3A_544 = arith.addi %iota3A, %add3A_543 : vector<16xi32>
      %mul3A_545 = arith.constant 256 : i32
      %mul3A_546 = vector.broadcast %mul3A_545 : i32 to vector<16xi32>
      %mul3A_547 = arith.muli %add3A_544, %mul3A_546 : vector<16xi32>
      %get3A_548 = arith.constant 6 : i32
      %get3A_549 = arith.index_cast %get3A_548 : i32 to index
      %get3A_550 = arith.constant 0 : index
      %get3A_551 = tpu.vector_load %arg7[%get3A_549, %get3A_550] {strides = array<i32>} : memref<10x128xi32, #tpu.memory_space<vmem>>, vector<16xi32>,
      %add3A_552 = arith.addi %mul3A_547, %get3A_551 : vector<16xi32>
      tpu.vector_store_idx %arg9[%add3A_552], %broadcast_in_dim3A_3 : memref<32768xf32, #tpu.memory_space<vmem>>[vector<16xi32>], vector<16xf32>,
      %add3A_553 = arith.constant 16 : i32
      %add3A_554 = vector.broadcast %add3A_553 : i32 to vector<16xi32>
      %add3A_555 = arith.addi %iota3A, %add3A_554 : vector<16xi32>
      %mul3A_556 = arith.constant 256 : i32
      %mul3A_557 = vector.broadcast %mul3A_556 : i32 to vector<16xi32>
      %mul3A_558 = arith.muli %add3A_555, %mul3A_557 : vector<16xi32>
      %get3A_559 = arith.constant 6 : i32
      %get3A_560 = arith.index_cast %get3A_559 : i32 to index
      %get3A_561 = arith.constant 16 : index
      %get3A_562 = tpu.vector_load %arg7[%get3A_560, %get3A_561] {strides = array<i32>} : memref<10x128xi32, #tpu.memory_space<vmem>>, vector<16xi32>,
      %add3A_563 = arith.addi %mul3A_558, %get3A_562 : vector<16xi32>
      tpu.vector_store_idx %arg9[%add3A_563], %broadcast_in_dim3A_3 : memref<32768xf32, #tpu.memory_space<vmem>>[vector<16xi32>], vector<16xf32>,
      %add3A_564 = arith.constant 32 : i32
      %add3A_565 = vector.broadcast %add3A_564 : i32 to vector<16xi32>
      %add3A_566 = arith.addi %iota3A, %add3A_565 : vector<16xi32>
      %mul3A_567 = arith.constant 256 : i32
      %mul3A_568 = vector.broadcast %mul3A_567 : i32 to vector<16xi32>
      %mul3A_569 = arith.muli %add3A_566, %mul3A_568 : vector<16xi32>
      %get3A_570 = arith.constant 6 : i32
      %get3A_571 = arith.index_cast %get3A_570 : i32 to index
      %get3A_572 = arith.constant 32 : index
      %get3A_573 = tpu.vector_load %arg7[%get3A_571, %get3A_572] {strides = array<i32>} : memref<10x128xi32, #tpu.memory_space<vmem>>, vector<16xi32>,
      %add3A_574 = arith.addi %mul3A_569, %get3A_573 : vector<16xi32>
      tpu.vector_store_idx %arg9[%add3A_574], %broadcast_in_dim3A_3 : memref<32768xf32, #tpu.memory_space<vmem>>[vector<16xi32>], vector<16xf32>,
      %add3A_575 = arith.constant 48 : i32
      %add3A_576 = vector.broadcast %add3A_575 : i32 to vector<16xi32>
      %add3A_577 = arith.addi %iota3A, %add3A_576 : vector<16xi32>
      %mul3A_578 = arith.constant 256 : i32
      %mul3A_579 = vector.broadcast %mul3A_578 : i32 to vector<16xi32>
      %mul3A_580 = arith.muli %add3A_577, %mul3A_579 : vector<16xi32>
      %get3A_581 = arith.constant 6 : i32
      %get3A_582 = arith.index_cast %get3A_581 : i32 to index
      %get3A_583 = arith.constant 48 : index
      %get3A_584 = tpu.vector_load %arg7[%get3A_582, %get3A_583] {strides = array<i32>} : memref<10x128xi32, #tpu.memory_space<vmem>>, vector<16xi32>,
      %add3A_585 = arith.addi %mul3A_580, %get3A_584 : vector<16xi32>
      tpu.vector_store_idx %arg9[%add3A_585], %broadcast_in_dim3A_3 : memref<32768xf32, #tpu.memory_space<vmem>>[vector<16xi32>], vector<16xf32>,
      %add3A_586 = arith.constant 64 : i32
      %add3A_587 = vector.broadcast %add3A_586 : i32 to vector<16xi32>
      %add3A_588 = arith.addi %iota3A, %add3A_587 : vector<16xi32>
      %mul3A_589 = arith.constant 256 : i32
      %mul3A_590 = vector.broadcast %mul3A_589 : i32 to vector<16xi32>
      %mul3A_591 = arith.muli %add3A_588, %mul3A_590 : vector<16xi32>
      %get3A_592 = arith.constant 6 : i32
      %get3A_593 = arith.index_cast %get3A_592 : i32 to index
      %get3A_594 = arith.constant 64 : index
      %get3A_595 = tpu.vector_load %arg7[%get3A_593, %get3A_594] {strides = array<i32>} : memref<10x128xi32, #tpu.memory_space<vmem>>, vector<16xi32>,
      %add3A_596 = arith.addi %mul3A_591, %get3A_595 : vector<16xi32>
      tpu.vector_store_idx %arg9[%add3A_596], %broadcast_in_dim3A_3 : memref<32768xf32, #tpu.memory_space<vmem>>[vector<16xi32>], vector<16xf32>,
      %add3A_597 = arith.constant 80 : i32
      %add3A_598 = vector.broadcast %add3A_597 : i32 to vector<16xi32>
      %add3A_599 = arith.addi %iota3A, %add3A_598 : vector<16xi32>
      %mul3A_600 = arith.constant 256 : i32
      %mul3A_601 = vector.broadcast %mul3A_600 : i32 to vector<16xi32>
      %mul3A_602 = arith.muli %add3A_599, %mul3A_601 : vector<16xi32>
      %get3A_603 = arith.constant 6 : i32
      %get3A_604 = arith.index_cast %get3A_603 : i32 to index
      %get3A_605 = arith.constant 80 : index
      %get3A_606 = tpu.vector_load %arg7[%get3A_604, %get3A_605] {strides = array<i32>} : memref<10x128xi32, #tpu.memory_space<vmem>>, vector<16xi32>,
      %add3A_607 = arith.addi %mul3A_602, %get3A_606 : vector<16xi32>
      tpu.vector_store_idx %arg9[%add3A_607], %broadcast_in_dim3A_3 : memref<32768xf32, #tpu.memory_space<vmem>>[vector<16xi32>], vector<16xf32>,
      %add3A_608 = arith.constant 96 : i32
      %add3A_609 = vector.broadcast %add3A_608 : i32 to vector<16xi32>
      %add3A_610 = arith.addi %iota3A, %add3A_609 : vector<16xi32>
      %mul3A_611 = arith.constant 256 : i32
      %mul3A_612 = vector.broadcast %mul3A_611 : i32 to vector<16xi32>
      %mul3A_613 = arith.muli %add3A_610, %mul3A_612 : vector<16xi32>
      %get3A_614 = arith.constant 6 : i32
      %get3A_615 = arith.index_cast %get3A_614 : i32 to index
      %get3A_616 = arith.constant 96 : index
      %get3A_617 = tpu.vector_load %arg7[%get3A_615, %get3A_616] {strides = array<i32>} : memref<10x128xi32, #tpu.memory_space<vmem>>, vector<16xi32>,
      %add3A_618 = arith.addi %mul3A_613, %get3A_617 : vector<16xi32>
      tpu.vector_store_idx %arg9[%add3A_618], %broadcast_in_dim3A_3 : memref<32768xf32, #tpu.memory_space<vmem>>[vector<16xi32>], vector<16xf32>,
      %add3A_619 = arith.constant 112 : i32
      %add3A_620 = vector.broadcast %add3A_619 : i32 to vector<16xi32>
      %add3A_621 = arith.addi %iota3A, %add3A_620 : vector<16xi32>
      %mul3A_622 = arith.constant 256 : i32
      %mul3A_623 = vector.broadcast %mul3A_622 : i32 to vector<16xi32>
      %mul3A_624 = arith.muli %add3A_621, %mul3A_623 : vector<16xi32>
      %get3A_625 = arith.constant 6 : i32
      %get3A_626 = arith.index_cast %get3A_625 : i32 to index
      %get3A_627 = arith.constant 112 : index
      %get3A_628 = tpu.vector_load %arg7[%get3A_626, %get3A_627] {strides = array<i32>} : memref<10x128xi32, #tpu.memory_space<vmem>>, vector<16xi32>,
      %add3A_629 = arith.addi %mul3A_624, %get3A_628 : vector<16xi32>
      tpu.vector_store_idx %arg9[%add3A_629], %broadcast_in_dim3A_3 : memref<32768xf32, #tpu.memory_space<vmem>>[vector<16xi32>], vector<16xf32>,
      %add3A_630 = arith.constant 0 : i32
      %add3A_631 = vector.broadcast %add3A_630 : i32 to vector<16xi32>
      %add3A_632 = arith.addi %iota3A, %add3A_631 : vector<16xi32>
      %mul3A_633 = arith.constant 256 : i32
      %mul3A_634 = vector.broadcast %mul3A_633 : i32 to vector<16xi32>
      %mul3A_635 = arith.muli %add3A_632, %mul3A_634 : vector<16xi32>
      %get3A_636 = arith.constant 7 : i32
      %get3A_637 = arith.index_cast %get3A_636 : i32 to index
      %get3A_638 = arith.constant 0 : index
      %get3A_639 = tpu.vector_load %arg7[%get3A_637, %get3A_638] {strides = array<i32>} : memref<10x128xi32, #tpu.memory_space<vmem>>, vector<16xi32>,
      %add3A_640 = arith.addi %mul3A_635, %get3A_639 : vector<16xi32>
      tpu.vector_store_idx %arg9[%add3A_640], %broadcast_in_dim3A_3 : memref<32768xf32, #tpu.memory_space<vmem>>[vector<16xi32>], vector<16xf32>,
      %add3A_641 = arith.constant 16 : i32
      %add3A_642 = vector.broadcast %add3A_641 : i32 to vector<16xi32>
      %add3A_643 = arith.addi %iota3A, %add3A_642 : vector<16xi32>
      %mul3A_644 = arith.constant 256 : i32
      %mul3A_645 = vector.broadcast %mul3A_644 : i32 to vector<16xi32>
      %mul3A_646 = arith.muli %add3A_643, %mul3A_645 : vector<16xi32>
      %get3A_647 = arith.constant 7 : i32
      %get3A_648 = arith.index_cast %get3A_647 : i32 to index
      %get3A_649 = arith.constant 16 : index
      %get3A_650 = tpu.vector_load %arg7[%get3A_648, %get3A_649] {strides = array<i32>} : memref<10x128xi32, #tpu.memory_space<vmem>>, vector<16xi32>,
      %add3A_651 = arith.addi %mul3A_646, %get3A_650 : vector<16xi32>
      tpu.vector_store_idx %arg9[%add3A_651], %broadcast_in_dim3A_3 : memref<32768xf32, #tpu.memory_space<vmem>>[vector<16xi32>], vector<16xf32>,
      %add3A_652 = arith.constant 32 : i32
      %add3A_653 = vector.broadcast %add3A_652 : i32 to vector<16xi32>
      %add3A_654 = arith.addi %iota3A, %add3A_653 : vector<16xi32>
      %mul3A_655 = arith.constant 256 : i32
      %mul3A_656 = vector.broadcast %mul3A_655 : i32 to vector<16xi32>
      %mul3A_657 = arith.muli %add3A_654, %mul3A_656 : vector<16xi32>
      %get3A_658 = arith.constant 7 : i32
      %get3A_659 = arith.index_cast %get3A_658 : i32 to index
      %get3A_660 = arith.constant 32 : index
      %get3A_661 = tpu.vector_load %arg7[%get3A_659, %get3A_660] {strides = array<i32>} : memref<10x128xi32, #tpu.memory_space<vmem>>, vector<16xi32>,
      %add3A_662 = arith.addi %mul3A_657, %get3A_661 : vector<16xi32>
      tpu.vector_store_idx %arg9[%add3A_662], %broadcast_in_dim3A_3 : memref<32768xf32, #tpu.memory_space<vmem>>[vector<16xi32>], vector<16xf32>,
      %add3A_663 = arith.constant 48 : i32
      %add3A_664 = vector.broadcast %add3A_663 : i32 to vector<16xi32>
      %add3A_665 = arith.addi %iota3A, %add3A_664 : vector<16xi32>
      %mul3A_666 = arith.constant 256 : i32
      %mul3A_667 = vector.broadcast %mul3A_666 : i32 to vector<16xi32>
      %mul3A_668 = arith.muli %add3A_665, %mul3A_667 : vector<16xi32>
      %get3A_669 = arith.constant 7 : i32
      %get3A_670 = arith.index_cast %get3A_669 : i32 to index
      %get3A_671 = arith.constant 48 : index
      %get3A_672 = tpu.vector_load %arg7[%get3A_670, %get3A_671] {strides = array<i32>} : memref<10x128xi32, #tpu.memory_space<vmem>>, vector<16xi32>,
      %add3A_673 = arith.addi %mul3A_668, %get3A_672 : vector<16xi32>
      tpu.vector_store_idx %arg9[%add3A_673], %broadcast_in_dim3A_3 : memref<32768xf32, #tpu.memory_space<vmem>>[vector<16xi32>], vector<16xf32>,
      %add3A_674 = arith.constant 64 : i32
      %add3A_675 = vector.broadcast %add3A_674 : i32 to vector<16xi32>
      %add3A_676 = arith.addi %iota3A, %add3A_675 : vector<16xi32>
      %mul3A_677 = arith.constant 256 : i32
      %mul3A_678 = vector.broadcast %mul3A_677 : i32 to vector<16xi32>
      %mul3A_679 = arith.muli %add3A_676, %mul3A_678 : vector<16xi32>
      %get3A_680 = arith.constant 7 : i32
      %get3A_681 = arith.index_cast %get3A_680 : i32 to index
      %get3A_682 = arith.constant 64 : index
      %get3A_683 = tpu.vector_load %arg7[%get3A_681, %get3A_682] {strides = array<i32>} : memref<10x128xi32, #tpu.memory_space<vmem>>, vector<16xi32>,
      %add3A_684 = arith.addi %mul3A_679, %get3A_683 : vector<16xi32>
      tpu.vector_store_idx %arg9[%add3A_684], %broadcast_in_dim3A_3 : memref<32768xf32, #tpu.memory_space<vmem>>[vector<16xi32>], vector<16xf32>,
      %add3A_685 = arith.constant 80 : i32
      %add3A_686 = vector.broadcast %add3A_685 : i32 to vector<16xi32>
      %add3A_687 = arith.addi %iota3A, %add3A_686 : vector<16xi32>
      %mul3A_688 = arith.constant 256 : i32
      %mul3A_689 = vector.broadcast %mul3A_688 : i32 to vector<16xi32>
      %mul3A_690 = arith.muli %add3A_687, %mul3A_689 : vector<16xi32>
      %get3A_691 = arith.constant 7 : i32
      %get3A_692 = arith.index_cast %get3A_691 : i32 to index
      %get3A_693 = arith.constant 80 : index
      %get3A_694 = tpu.vector_load %arg7[%get3A_692, %get3A_693] {strides = array<i32>} : memref<10x128xi32, #tpu.memory_space<vmem>>, vector<16xi32>,
      %add3A_695 = arith.addi %mul3A_690, %get3A_694 : vector<16xi32>
      tpu.vector_store_idx %arg9[%add3A_695], %broadcast_in_dim3A_3 : memref<32768xf32, #tpu.memory_space<vmem>>[vector<16xi32>], vector<16xf32>,
      %add3A_696 = arith.constant 96 : i32
      %add3A_697 = vector.broadcast %add3A_696 : i32 to vector<16xi32>
      %add3A_698 = arith.addi %iota3A, %add3A_697 : vector<16xi32>
      %mul3A_699 = arith.constant 256 : i32
      %mul3A_700 = vector.broadcast %mul3A_699 : i32 to vector<16xi32>
      %mul3A_701 = arith.muli %add3A_698, %mul3A_700 : vector<16xi32>
      %get3A_702 = arith.constant 7 : i32
      %get3A_703 = arith.index_cast %get3A_702 : i32 to index
      %get3A_704 = arith.constant 96 : index
      %get3A_705 = tpu.vector_load %arg7[%get3A_703, %get3A_704] {strides = array<i32>} : memref<10x128xi32, #tpu.memory_space<vmem>>, vector<16xi32>,
      %add3A_706 = arith.addi %mul3A_701, %get3A_705 : vector<16xi32>
      tpu.vector_store_idx %arg9[%add3A_706], %broadcast_in_dim3A_3 : memref<32768xf32, #tpu.memory_space<vmem>>[vector<16xi32>], vector<16xf32>,
      %add3A_707 = arith.constant 112 : i32
      %add3A_708 = vector.broadcast %add3A_707 : i32 to vector<16xi32>
      %add3A_709 = arith.addi %iota3A, %add3A_708 : vector<16xi32>
      %mul3A_710 = arith.constant 256 : i32
      %mul3A_711 = vector.broadcast %mul3A_710 : i32 to vector<16xi32>
      %mul3A_712 = arith.muli %add3A_709, %mul3A_711 : vector<16xi32>
      %get3A_713 = arith.constant 7 : i32
      %get3A_714 = arith.index_cast %get3A_713 : i32 to index
      %get3A_715 = arith.constant 112 : index
      %get3A_716 = tpu.vector_load %arg7[%get3A_714, %get3A_715] {strides = array<i32>} : memref<10x128xi32, #tpu.memory_space<vmem>>, vector<16xi32>,
      %add3A_717 = arith.addi %mul3A_712, %get3A_716 : vector<16xi32>
      tpu.vector_store_idx %arg9[%add3A_717], %broadcast_in_dim3A_3 : memref<32768xf32, #tpu.memory_space<vmem>>[vector<16xi32>], vector<16xf32>,
      %add3A_718 = arith.constant 0 : i32
      %add3A_719 = vector.broadcast %add3A_718 : i32 to vector<16xi32>
      %add3A_720 = arith.addi %iota3A, %add3A_719 : vector<16xi32>
      %mul3A_721 = arith.constant 256 : i32
      %mul3A_722 = vector.broadcast %mul3A_721 : i32 to vector<16xi32>
      %mul3A_723 = arith.muli %add3A_720, %mul3A_722 : vector<16xi32>
      %get3A_724 = arith.constant 8 : i32
      %get3A_725 = arith.index_cast %get3A_724 : i32 to index
      %get3A_726 = arith.constant 0 : index
      %get3A_727 = tpu.vector_load %arg7[%get3A_725, %get3A_726] {strides = array<i32>} : memref<10x128xi32, #tpu.memory_space<vmem>>, vector<16xi32>,
      %add3A_728 = arith.addi %mul3A_723, %get3A_727 : vector<16xi32>
      tpu.vector_store_idx %arg9[%add3A_728], %broadcast_in_dim3A_3 : memref<32768xf32, #tpu.memory_space<vmem>>[vector<16xi32>], vector<16xf32>,
      %add3A_729 = arith.constant 16 : i32
      %add3A_730 = vector.broadcast %add3A_729 : i32 to vector<16xi32>
      %add3A_731 = arith.addi %iota3A, %add3A_730 : vector<16xi32>
      %mul3A_732 = arith.constant 256 : i32
      %mul3A_733 = vector.broadcast %mul3A_732 : i32 to vector<16xi32>
      %mul3A_734 = arith.muli %add3A_731, %mul3A_733 : vector<16xi32>
      %get3A_735 = arith.constant 8 : i32
      %get3A_736 = arith.index_cast %get3A_735 : i32 to index
      %get3A_737 = arith.constant 16 : index
      %get3A_738 = tpu.vector_load %arg7[%get3A_736, %get3A_737] {strides = array<i32>} : memref<10x128xi32, #tpu.memory_space<vmem>>, vector<16xi32>,
      %add3A_739 = arith.addi %mul3A_734, %get3A_738 : vector<16xi32>
      tpu.vector_store_idx %arg9[%add3A_739], %broadcast_in_dim3A_3 : memref<32768xf32, #tpu.memory_space<vmem>>[vector<16xi32>], vector<16xf32>,
      %add3A_740 = arith.constant 32 : i32
      %add3A_741 = vector.broadcast %add3A_740 : i32 to vector<16xi32>
      %add3A_742 = arith.addi %iota3A, %add3A_741 : vector<16xi32>
      %mul3A_743 = arith.constant 256 : i32
      %mul3A_744 = vector.broadcast %mul3A_743 : i32 to vector<16xi32>
      %mul3A_745 = arith.muli %add3A_742, %mul3A_744 : vector<16xi32>
      %get3A_746 = arith.constant 8 : i32
      %get3A_747 = arith.index_cast %get3A_746 : i32 to index
      %get3A_748 = arith.constant 32 : index
      %get3A_749 = tpu.vector_load %arg7[%get3A_747, %get3A_748] {strides = array<i32>} : memref<10x128xi32, #tpu.memory_space<vmem>>, vector<16xi32>,
      %add3A_750 = arith.addi %mul3A_745, %get3A_749 : vector<16xi32>
      tpu.vector_store_idx %arg9[%add3A_750], %broadcast_in_dim3A_3 : memref<32768xf32, #tpu.memory_space<vmem>>[vector<16xi32>], vector<16xf32>,
      %add3A_751 = arith.constant 48 : i32
      %add3A_752 = vector.broadcast %add3A_751 : i32 to vector<16xi32>
      %add3A_753 = arith.addi %iota3A, %add3A_752 : vector<16xi32>
      %mul3A_754 = arith.constant 256 : i32
      %mul3A_755 = vector.broadcast %mul3A_754 : i32 to vector<16xi32>
      %mul3A_756 = arith.muli %add3A_753, %mul3A_755 : vector<16xi32>
      %get3A_757 = arith.constant 8 : i32
      %get3A_758 = arith.index_cast %get3A_757 : i32 to index
      %get3A_759 = arith.constant 48 : index
      %get3A_760 = tpu.vector_load %arg7[%get3A_758, %get3A_759] {strides = array<i32>} : memref<10x128xi32, #tpu.memory_space<vmem>>, vector<16xi32>,
      %add3A_761 = arith.addi %mul3A_756, %get3A_760 : vector<16xi32>
      tpu.vector_store_idx %arg9[%add3A_761], %broadcast_in_dim3A_3 : memref<32768xf32, #tpu.memory_space<vmem>>[vector<16xi32>], vector<16xf32>,
      %add3A_762 = arith.constant 64 : i32
      %add3A_763 = vector.broadcast %add3A_762 : i32 to vector<16xi32>
      %add3A_764 = arith.addi %iota3A, %add3A_763 : vector<16xi32>
      %mul3A_765 = arith.constant 256 : i32
      %mul3A_766 = vector.broadcast %mul3A_765 : i32 to vector<16xi32>
      %mul3A_767 = arith.muli %add3A_764, %mul3A_766 : vector<16xi32>
      %get3A_768 = arith.constant 8 : i32
      %get3A_769 = arith.index_cast %get3A_768 : i32 to index
      %get3A_770 = arith.constant 64 : index
      %get3A_771 = tpu.vector_load %arg7[%get3A_769, %get3A_770] {strides = array<i32>} : memref<10x128xi32, #tpu.memory_space<vmem>>, vector<16xi32>,
      %add3A_772 = arith.addi %mul3A_767, %get3A_771 : vector<16xi32>
      tpu.vector_store_idx %arg9[%add3A_772], %broadcast_in_dim3A_3 : memref<32768xf32, #tpu.memory_space<vmem>>[vector<16xi32>], vector<16xf32>,
      %add3A_773 = arith.constant 80 : i32
      %add3A_774 = vector.broadcast %add3A_773 : i32 to vector<16xi32>
      %add3A_775 = arith.addi %iota3A, %add3A_774 : vector<16xi32>
      %mul3A_776 = arith.constant 256 : i32
      %mul3A_777 = vector.broadcast %mul3A_776 : i32 to vector<16xi32>
      %mul3A_778 = arith.muli %add3A_775, %mul3A_777 : vector<16xi32>
      %get3A_779 = arith.constant 8 : i32
      %get3A_780 = arith.index_cast %get3A_779 : i32 to index
      %get3A_781 = arith.constant 80 : index
      %get3A_782 = tpu.vector_load %arg7[%get3A_780, %get3A_781] {strides = array<i32>} : memref<10x128xi32, #tpu.memory_space<vmem>>, vector<16xi32>,
      %add3A_783 = arith.addi %mul3A_778, %get3A_782 : vector<16xi32>
      tpu.vector_store_idx %arg9[%add3A_783], %broadcast_in_dim3A_3 : memref<32768xf32, #tpu.memory_space<vmem>>[vector<16xi32>], vector<16xf32>,
      %add3A_784 = arith.constant 96 : i32
      %add3A_785 = vector.broadcast %add3A_784 : i32 to vector<16xi32>
      %add3A_786 = arith.addi %iota3A, %add3A_785 : vector<16xi32>
      %mul3A_787 = arith.constant 256 : i32
      %mul3A_788 = vector.broadcast %mul3A_787 : i32 to vector<16xi32>
      %mul3A_789 = arith.muli %add3A_786, %mul3A_788 : vector<16xi32>
      %get3A_790 = arith.constant 8 : i32
      %get3A_791 = arith.index_cast %get3A_790 : i32 to index
      %get3A_792 = arith.constant 96 : index
      %get3A_793 = tpu.vector_load %arg7[%get3A_791, %get3A_792] {strides = array<i32>} : memref<10x128xi32, #tpu.memory_space<vmem>>, vector<16xi32>,
      %add3A_794 = arith.addi %mul3A_789, %get3A_793 : vector<16xi32>
      tpu.vector_store_idx %arg9[%add3A_794], %broadcast_in_dim3A_3 : memref<32768xf32, #tpu.memory_space<vmem>>[vector<16xi32>], vector<16xf32>,
      %add3A_795 = arith.constant 112 : i32
      %add3A_796 = vector.broadcast %add3A_795 : i32 to vector<16xi32>
      %add3A_797 = arith.addi %iota3A, %add3A_796 : vector<16xi32>
      %mul3A_798 = arith.constant 256 : i32
      %mul3A_799 = vector.broadcast %mul3A_798 : i32 to vector<16xi32>
      %mul3A_800 = arith.muli %add3A_797, %mul3A_799 : vector<16xi32>
      %get3A_801 = arith.constant 8 : i32
      %get3A_802 = arith.index_cast %get3A_801 : i32 to index
      %get3A_803 = arith.constant 112 : index
      %get3A_804 = tpu.vector_load %arg7[%get3A_802, %get3A_803] {strides = array<i32>} : memref<10x128xi32, #tpu.memory_space<vmem>>, vector<16xi32>,
      %add3A_805 = arith.addi %mul3A_800, %get3A_804 : vector<16xi32>
      tpu.vector_store_idx %arg9[%add3A_805], %broadcast_in_dim3A_3 : memref<32768xf32, #tpu.memory_space<vmem>>[vector<16xi32>], vector<16xf32>,
      %add3A_806 = arith.constant 0 : i32
      %add3A_807 = vector.broadcast %add3A_806 : i32 to vector<16xi32>
      %add3A_808 = arith.addi %iota3A, %add3A_807 : vector<16xi32>
      %mul3A_809 = arith.constant 256 : i32
      %mul3A_810 = vector.broadcast %mul3A_809 : i32 to vector<16xi32>
      %mul3A_811 = arith.muli %add3A_808, %mul3A_810 : vector<16xi32>
      %get3A_812 = arith.constant 9 : i32
      %get3A_813 = arith.index_cast %get3A_812 : i32 to index
      %get3A_814 = arith.constant 0 : index
      %get3A_815 = tpu.vector_load %arg7[%get3A_813, %get3A_814] {strides = array<i32>} : memref<10x128xi32, #tpu.memory_space<vmem>>, vector<16xi32>,
      %add3A_816 = arith.addi %mul3A_811, %get3A_815 : vector<16xi32>
      tpu.vector_store_idx %arg9[%add3A_816], %broadcast_in_dim3A_3 : memref<32768xf32, #tpu.memory_space<vmem>>[vector<16xi32>], vector<16xf32>,
      %add3A_817 = arith.constant 16 : i32
      %add3A_818 = vector.broadcast %add3A_817 : i32 to vector<16xi32>
      %add3A_819 = arith.addi %iota3A, %add3A_818 : vector<16xi32>
      %mul3A_820 = arith.constant 256 : i32
      %mul3A_821 = vector.broadcast %mul3A_820 : i32 to vector<16xi32>
      %mul3A_822 = arith.muli %add3A_819, %mul3A_821 : vector<16xi32>
      %get3A_823 = arith.constant 9 : i32
      %get3A_824 = arith.index_cast %get3A_823 : i32 to index
      %get3A_825 = arith.constant 16 : index
      %get3A_826 = tpu.vector_load %arg7[%get3A_824, %get3A_825] {strides = array<i32>} : memref<10x128xi32, #tpu.memory_space<vmem>>, vector<16xi32>,
      %add3A_827 = arith.addi %mul3A_822, %get3A_826 : vector<16xi32>
      tpu.vector_store_idx %arg9[%add3A_827], %broadcast_in_dim3A_3 : memref<32768xf32, #tpu.memory_space<vmem>>[vector<16xi32>], vector<16xf32>,
      %add3A_828 = arith.constant 32 : i32
      %add3A_829 = vector.broadcast %add3A_828 : i32 to vector<16xi32>
      %add3A_830 = arith.addi %iota3A, %add3A_829 : vector<16xi32>
      %mul3A_831 = arith.constant 256 : i32
      %mul3A_832 = vector.broadcast %mul3A_831 : i32 to vector<16xi32>
      %mul3A_833 = arith.muli %add3A_830, %mul3A_832 : vector<16xi32>
      %get3A_834 = arith.constant 9 : i32
      %get3A_835 = arith.index_cast %get3A_834 : i32 to index
      %get3A_836 = arith.constant 32 : index
      %get3A_837 = tpu.vector_load %arg7[%get3A_835, %get3A_836] {strides = array<i32>} : memref<10x128xi32, #tpu.memory_space<vmem>>, vector<16xi32>,
      %add3A_838 = arith.addi %mul3A_833, %get3A_837 : vector<16xi32>
      tpu.vector_store_idx %arg9[%add3A_838], %broadcast_in_dim3A_3 : memref<32768xf32, #tpu.memory_space<vmem>>[vector<16xi32>], vector<16xf32>,
      %add3A_839 = arith.constant 48 : i32
      %add3A_840 = vector.broadcast %add3A_839 : i32 to vector<16xi32>
      %add3A_841 = arith.addi %iota3A, %add3A_840 : vector<16xi32>
      %mul3A_842 = arith.constant 256 : i32
      %mul3A_843 = vector.broadcast %mul3A_842 : i32 to vector<16xi32>
      %mul3A_844 = arith.muli %add3A_841, %mul3A_843 : vector<16xi32>
      %get3A_845 = arith.constant 9 : i32
      %get3A_846 = arith.index_cast %get3A_845 : i32 to index
      %get3A_847 = arith.constant 48 : index
      %get3A_848 = tpu.vector_load %arg7[%get3A_846, %get3A_847] {strides = array<i32>} : memref<10x128xi32, #tpu.memory_space<vmem>>, vector<16xi32>,
      %add3A_849 = arith.addi %mul3A_844, %get3A_848 : vector<16xi32>
      tpu.vector_store_idx %arg9[%add3A_849], %broadcast_in_dim3A_3 : memref<32768xf32, #tpu.memory_space<vmem>>[vector<16xi32>], vector<16xf32>,
      %add3A_850 = arith.constant 64 : i32
      %add3A_851 = vector.broadcast %add3A_850 : i32 to vector<16xi32>
      %add3A_852 = arith.addi %iota3A, %add3A_851 : vector<16xi32>
      %mul3A_853 = arith.constant 256 : i32
      %mul3A_854 = vector.broadcast %mul3A_853 : i32 to vector<16xi32>
      %mul3A_855 = arith.muli %add3A_852, %mul3A_854 : vector<16xi32>
      %get3A_856 = arith.constant 9 : i32
      %get3A_857 = arith.index_cast %get3A_856 : i32 to index
      %get3A_858 = arith.constant 64 : index
      %get3A_859 = tpu.vector_load %arg7[%get3A_857, %get3A_858] {strides = array<i32>} : memref<10x128xi32, #tpu.memory_space<vmem>>, vector<16xi32>,
      %add3A_860 = arith.addi %mul3A_855, %get3A_859 : vector<16xi32>
      tpu.vector_store_idx %arg9[%add3A_860], %broadcast_in_dim3A_3 : memref<32768xf32, #tpu.memory_space<vmem>>[vector<16xi32>], vector<16xf32>,
      %add3A_861 = arith.constant 80 : i32
      %add3A_862 = vector.broadcast %add3A_861 : i32 to vector<16xi32>
      %add3A_863 = arith.addi %iota3A, %add3A_862 : vector<16xi32>
      %mul3A_864 = arith.constant 256 : i32
      %mul3A_865 = vector.broadcast %mul3A_864 : i32 to vector<16xi32>
      %mul3A_866 = arith.muli %add3A_863, %mul3A_865 : vector<16xi32>
      %get3A_867 = arith.constant 9 : i32
      %get3A_868 = arith.index_cast %get3A_867 : i32 to index
      %get3A_869 = arith.constant 80 : index
      %get3A_870 = tpu.vector_load %arg7[%get3A_868, %get3A_869] {strides = array<i32>} : memref<10x128xi32, #tpu.memory_space<vmem>>, vector<16xi32>,
      %add3A_871 = arith.addi %mul3A_866, %get3A_870 : vector<16xi32>
      tpu.vector_store_idx %arg9[%add3A_871], %broadcast_in_dim3A_3 : memref<32768xf32, #tpu.memory_space<vmem>>[vector<16xi32>], vector<16xf32>,
      %add3A_872 = arith.constant 96 : i32
      %add3A_873 = vector.broadcast %add3A_872 : i32 to vector<16xi32>
      %add3A_874 = arith.addi %iota3A, %add3A_873 : vector<16xi32>
      %mul3A_875 = arith.constant 256 : i32
      %mul3A_876 = vector.broadcast %mul3A_875 : i32 to vector<16xi32>
      %mul3A_877 = arith.muli %add3A_874, %mul3A_876 : vector<16xi32>
      %get3A_878 = arith.constant 9 : i32
      %get3A_879 = arith.index_cast %get3A_878 : i32 to index
      %get3A_880 = arith.constant 96 : index
      %get3A_881 = tpu.vector_load %arg7[%get3A_879, %get3A_880] {strides = array<i32>} : memref<10x128xi32, #tpu.memory_space<vmem>>, vector<16xi32>,
      %add3A_882 = arith.addi %mul3A_877, %get3A_881 : vector<16xi32>
      tpu.vector_store_idx %arg9[%add3A_882], %broadcast_in_dim3A_3 : memref<32768xf32, #tpu.memory_space<vmem>>[vector<16xi32>], vector<16xf32>,
      %add3A_883 = arith.constant 112 : i32
      %add3A_884 = vector.broadcast %add3A_883 : i32 to vector<16xi32>
      %add3A_885 = arith.addi %iota3A, %add3A_884 : vector<16xi32>
      %mul3A_886 = arith.constant 256 : i32
      %mul3A_887 = vector.broadcast %mul3A_886 : i32 to vector<16xi32>
      %mul3A_888 = arith.muli %add3A_885, %mul3A_887 : vector<16xi32>
      %get3A_889 = arith.constant 9 : i32
      %get3A_890 = arith.index_cast %get3A_889 : i32 to index
      %get3A_891 = arith.constant 112 : index
      %get3A_892 = tpu.vector_load %arg7[%get3A_890, %get3A_891] {strides = array<i32>} : memref<10x128xi32, #tpu.memory_space<vmem>>, vector<16xi32>,
      %add3A_893 = arith.addi %mul3A_888, %get3A_892 : vector<16xi32>
      tpu.vector_store_idx %arg9[%add3A_893], %broadcast_in_dim3A_3 : memref<32768xf32, #tpu.memory_space<vmem>>[vector<16xi32>], vector<16xf32>,
      %mul3A_894 = arith.constant 32768 : i32
      %mul3A_895 = arith.muli %mul3A_894, %sub3A_10 : i32
      "tpu.region"() ({
        %run_scoped3A = tpu.sem_alloc : memref<!tpu.dma_semaphore, #tpu.memory_space<semaphore_mem>>
        %dma_start3A = tpu.memref_slice %arg5[%mul3A_895] : memref<524288xf32, #tpu.memory_space<hbm>> -> memref<32768xf32, #tpu.memory_space<hbm>>
        %dma_start3A_896 = tpu.memref_slice %arg5[%mul3A_895] : memref<524288xf32, #tpu.memory_space<hbm>> -> memref<32768xf32, #tpu.memory_space<hbm>>
        tpu.enqueue_dma source(%arg9 : memref<32768xf32, #tpu.memory_space<vmem>>) target(%dma_start3A_896 : memref<32768xf32, #tpu.memory_space<hbm>>) target_semaphore(%run_scoped3A : memref<!tpu.dma_semaphore, #tpu.memory_space<semaphore_mem>>)
        %dma_wait3A = tpu.memref_slice %arg5[%mul3A_895] : memref<524288xf32, #tpu.memory_space<hbm>> -> memref<32768xf32, #tpu.memory_space<hbm>>
        %dma_wait3A_897 = tpu.memref_slice %arg5[%mul3A_895] : memref<524288xf32, #tpu.memory_space<hbm>> -> memref<32768xf32, #tpu.memory_space<hbm>>
        tpu.wait_dma2 semaphore(%run_scoped3A : memref<!tpu.dma_semaphore, #tpu.memory_space<semaphore_mem>>) src(%arg9 : memref<32768xf32, #tpu.memory_space<vmem>>) dst(%dma_wait3A_897 : memref<32768xf32, #tpu.memory_space<hbm>>)
        tpu.yield
      }) : () -> ()
    } else {
    }
    return
  }
}

module attributes {stable_mosaic.version = 14 : i64} {
  func.func @_tc_body(%arg0: memref<256x2048xf32, #tpu.memory_space<hbm>>, %arg1: memref<256x2048xf32, #tpu.memory_space<hbm>>, %arg2: memref<2048x256xf32, #tpu.memory_space<hbm>>, %arg3: memref<128x2304xf32, #tpu.memory_space<hbm>>, %arg4: memref<128x4096xf32, #tpu.memory_space<hbm>>, %arg5: memref<128x2304xf32, #tpu.memory_space<hbm>>, %arg6: memref<128x512xf32, #tpu.memory_space<hbm>>, %arg7: memref<128x512xf32, #tpu.memory_space<hbm>>, %arg8: memref<128x256xf32, #tpu.memory_space<vmem>>, %arg9: memref<256x2048xf32, #tpu.memory_space<vmem>>, %arg10: memref<2048x256xf32, #tpu.memory_space<vmem>>, %arg11: memref<256x2048xf32, #tpu.memory_space<vmem>>, %arg12: memref<128x2304xf32, #tpu.memory_space<vmem>>, %arg13: memref<128x4096xf32, #tpu.memory_space<vmem>>, %arg14: memref<128x2304xf32, #tpu.memory_space<vmem>>, %arg15: memref<128x512xf32, #tpu.memory_space<vmem>>, %arg16: memref<128x512xf32, #tpu.memory_space<vmem>>, %arg17: memref<8x!tpu.dma_semaphore, #tpu.memory_space<semaphore_mem>>) attributes {dimension_semantics = [], scalar_prefetch = 0 : i64, scratch_operands = 9 : i64, tpu.core_type = #tpu.core_type<tc>} {
    %dma_start3A = arith.constant 0 : i32
    %dma_start3A_0 = tpu.memref_slice %arg17[%dma_start3A] : memref<8x!tpu.dma_semaphore, #tpu.memory_space<semaphore_mem>> -> memref<1x!tpu.dma_semaphore, #tpu.memory_space<semaphore_mem>>
    %dma_start3A_1 = tpu.memref_squeeze %dma_start3A_0 : memref<1x!tpu.dma_semaphore, #tpu.memory_space<semaphore_mem>> -> memref<!tpu.dma_semaphore, #tpu.memory_space<semaphore_mem>>
    tpu.enqueue_dma source(%arg1 : memref<256x2048xf32, #tpu.memory_space<hbm>>) target(%arg9 : memref<256x2048xf32, #tpu.memory_space<vmem>>) target_semaphore(%dma_start3A_1 : memref<!tpu.dma_semaphore, #tpu.memory_space<semaphore_mem>>)
    %dma_start3A_2 = arith.constant 1 : i32
    %dma_start3A_3 = tpu.memref_slice %arg17[%dma_start3A_2] : memref<8x!tpu.dma_semaphore, #tpu.memory_space<semaphore_mem>> -> memref<1x!tpu.dma_semaphore, #tpu.memory_space<semaphore_mem>>
    %dma_start3A_4 = tpu.memref_squeeze %dma_start3A_3 : memref<1x!tpu.dma_semaphore, #tpu.memory_space<semaphore_mem>> -> memref<!tpu.dma_semaphore, #tpu.memory_space<semaphore_mem>>
    tpu.enqueue_dma source(%arg2 : memref<2048x256xf32, #tpu.memory_space<hbm>>) target(%arg10 : memref<2048x256xf32, #tpu.memory_space<vmem>>) target_semaphore(%dma_start3A_4 : memref<!tpu.dma_semaphore, #tpu.memory_space<semaphore_mem>>)
    %dma_start3A_5 = arith.constant 2 : i32
    %dma_start3A_6 = tpu.memref_slice %arg17[%dma_start3A_5] : memref<8x!tpu.dma_semaphore, #tpu.memory_space<semaphore_mem>> -> memref<1x!tpu.dma_semaphore, #tpu.memory_space<semaphore_mem>>
    %dma_start3A_7 = tpu.memref_squeeze %dma_start3A_6 : memref<1x!tpu.dma_semaphore, #tpu.memory_space<semaphore_mem>> -> memref<!tpu.dma_semaphore, #tpu.memory_space<semaphore_mem>>
    tpu.enqueue_dma source(%arg0 : memref<256x2048xf32, #tpu.memory_space<hbm>>) target(%arg11 : memref<256x2048xf32, #tpu.memory_space<vmem>>) target_semaphore(%dma_start3A_7 : memref<!tpu.dma_semaphore, #tpu.memory_space<semaphore_mem>>)
    %dma_start3A_8 = arith.constant 3 : i32
    %dma_start3A_9 = tpu.memref_slice %arg17[%dma_start3A_8] : memref<8x!tpu.dma_semaphore, #tpu.memory_space<semaphore_mem>> -> memref<1x!tpu.dma_semaphore, #tpu.memory_space<semaphore_mem>>
    %dma_start3A_10 = tpu.memref_squeeze %dma_start3A_9 : memref<1x!tpu.dma_semaphore, #tpu.memory_space<semaphore_mem>> -> memref<!tpu.dma_semaphore, #tpu.memory_space<semaphore_mem>>
    tpu.enqueue_dma source(%arg3 : memref<128x2304xf32, #tpu.memory_space<hbm>>) target(%arg12 : memref<128x2304xf32, #tpu.memory_space<vmem>>) target_semaphore(%dma_start3A_10 : memref<!tpu.dma_semaphore, #tpu.memory_space<semaphore_mem>>)
    %dma_start3A_11 = arith.constant 4 : i32
    %dma_start3A_12 = tpu.memref_slice %arg17[%dma_start3A_11] : memref<8x!tpu.dma_semaphore, #tpu.memory_space<semaphore_mem>> -> memref<1x!tpu.dma_semaphore, #tpu.memory_space<semaphore_mem>>
    %dma_start3A_13 = tpu.memref_squeeze %dma_start3A_12 : memref<1x!tpu.dma_semaphore, #tpu.memory_space<semaphore_mem>> -> memref<!tpu.dma_semaphore, #tpu.memory_space<semaphore_mem>>
    tpu.enqueue_dma source(%arg4 : memref<128x4096xf32, #tpu.memory_space<hbm>>) target(%arg13 : memref<128x4096xf32, #tpu.memory_space<vmem>>) target_semaphore(%dma_start3A_13 : memref<!tpu.dma_semaphore, #tpu.memory_space<semaphore_mem>>)
    %dma_start3A_14 = arith.constant 5 : i32
    %dma_start3A_15 = tpu.memref_slice %arg17[%dma_start3A_14] : memref<8x!tpu.dma_semaphore, #tpu.memory_space<semaphore_mem>> -> memref<1x!tpu.dma_semaphore, #tpu.memory_space<semaphore_mem>>
    %dma_start3A_16 = tpu.memref_squeeze %dma_start3A_15 : memref<1x!tpu.dma_semaphore, #tpu.memory_space<semaphore_mem>> -> memref<!tpu.dma_semaphore, #tpu.memory_space<semaphore_mem>>
    tpu.enqueue_dma source(%arg5 : memref<128x2304xf32, #tpu.memory_space<hbm>>) target(%arg14 : memref<128x2304xf32, #tpu.memory_space<vmem>>) target_semaphore(%dma_start3A_16 : memref<!tpu.dma_semaphore, #tpu.memory_space<semaphore_mem>>)
    %dma_start3A_17 = arith.constant 6 : i32
    %dma_start3A_18 = tpu.memref_slice %arg17[%dma_start3A_17] : memref<8x!tpu.dma_semaphore, #tpu.memory_space<semaphore_mem>> -> memref<1x!tpu.dma_semaphore, #tpu.memory_space<semaphore_mem>>
    %dma_start3A_19 = tpu.memref_squeeze %dma_start3A_18 : memref<1x!tpu.dma_semaphore, #tpu.memory_space<semaphore_mem>> -> memref<!tpu.dma_semaphore, #tpu.memory_space<semaphore_mem>>
    tpu.enqueue_dma source(%arg6 : memref<128x512xf32, #tpu.memory_space<hbm>>) target(%arg15 : memref<128x512xf32, #tpu.memory_space<vmem>>) target_semaphore(%dma_start3A_19 : memref<!tpu.dma_semaphore, #tpu.memory_space<semaphore_mem>>)
    %dma_start3A_20 = arith.constant 7 : i32
    %dma_start3A_21 = tpu.memref_slice %arg17[%dma_start3A_20] : memref<8x!tpu.dma_semaphore, #tpu.memory_space<semaphore_mem>> -> memref<1x!tpu.dma_semaphore, #tpu.memory_space<semaphore_mem>>
    %dma_start3A_22 = tpu.memref_squeeze %dma_start3A_21 : memref<1x!tpu.dma_semaphore, #tpu.memory_space<semaphore_mem>> -> memref<!tpu.dma_semaphore, #tpu.memory_space<semaphore_mem>>
    tpu.enqueue_dma source(%arg7 : memref<128x512xf32, #tpu.memory_space<hbm>>) target(%arg16 : memref<128x512xf32, #tpu.memory_space<vmem>>) target_semaphore(%dma_start3A_22 : memref<!tpu.dma_semaphore, #tpu.memory_space<semaphore_mem>>)
    %dma_wait3A = arith.constant 0 : i32
    %dma_wait3A_23 = tpu.memref_slice %arg17[%dma_wait3A] : memref<8x!tpu.dma_semaphore, #tpu.memory_space<semaphore_mem>> -> memref<1x!tpu.dma_semaphore, #tpu.memory_space<semaphore_mem>>
    %dma_wait3A_24 = tpu.memref_squeeze %dma_wait3A_23 : memref<1x!tpu.dma_semaphore, #tpu.memory_space<semaphore_mem>> -> memref<!tpu.dma_semaphore, #tpu.memory_space<semaphore_mem>>
    tpu.wait_dma2 semaphore(%dma_wait3A_24 : memref<!tpu.dma_semaphore, #tpu.memory_space<semaphore_mem>>) src(%arg1 : memref<256x2048xf32, #tpu.memory_space<hbm>>) dst(%arg9 : memref<256x2048xf32, #tpu.memory_space<vmem>>)
    %dma_wait3A_25 = arith.constant 1 : i32
    %dma_wait3A_26 = tpu.memref_slice %arg17[%dma_wait3A_25] : memref<8x!tpu.dma_semaphore, #tpu.memory_space<semaphore_mem>> -> memref<1x!tpu.dma_semaphore, #tpu.memory_space<semaphore_mem>>
    %dma_wait3A_27 = tpu.memref_squeeze %dma_wait3A_26 : memref<1x!tpu.dma_semaphore, #tpu.memory_space<semaphore_mem>> -> memref<!tpu.dma_semaphore, #tpu.memory_space<semaphore_mem>>
    tpu.wait_dma2 semaphore(%dma_wait3A_27 : memref<!tpu.dma_semaphore, #tpu.memory_space<semaphore_mem>>) src(%arg2 : memref<2048x256xf32, #tpu.memory_space<hbm>>) dst(%arg10 : memref<2048x256xf32, #tpu.memory_space<vmem>>)
    %get3A = arith.constant 0 : index
    %get3A_28 = arith.constant 0 : index
    %get3A_29 = vector.load %arg9[%get3A, %get3A_28] : memref<256x2048xf32, #tpu.memory_space<vmem>>, vector<256x2048xf32>
    %convert_element_type3A = arith.truncf %get3A_29 : vector<256x2048xf32> to vector<256x2048xbf16>
    %get3A_30 = arith.constant 0 : index
    %get3A_31 = arith.constant 0 : index
    %get3A_32 = vector.load %arg10[%get3A_30, %get3A_31] : memref<2048x256xf32, #tpu.memory_space<vmem>>, vector<2048x256xf32>
    %convert_element_type3A_33 = arith.truncf %get3A_32 : vector<2048x256xf32> to vector<2048x256xbf16>
    %dot_general3A = arith.constant dense<0.000000e+00> : vector<256x256xf32>
    %dot_general3A_34 = tpu.matmul %convert_element_type3A_33, %convert_element_type3A, %dot_general3A {dimension_numbers = #tpu.dot_dimension_numbers<[0], [1], [1], [0], [0, 1, 1, 0], [], []>, transpose_lhs_hint = false} : vector<2048x256xbf16>, vector<256x2048xbf16>, vector<256x256xf32> -> vector<256x256xf32>
    %convert_element_type3A_35 = arith.truncf %dot_general3A_34 : vector<256x256xf32> to vector<256x256xbf16>
    %min3A = arith.constant 1.000000e+00 : bf16
    %min3A_36 = vector.broadcast %min3A : bf16 to vector<256x256xbf16>
    %min3A_37 = arith.minimumf %convert_element_type3A_35, %min3A_36 : vector<256x256xbf16>
    %convert_element_type3A_38 = arith.extf %min3A_37 : vector<256x256xbf16> to vector<256x256xf32>
    %reduce_sum3A = arith.constant dense<0.000000e+00> : vector<256xf32>
    %reduce_sum3A_39 = vector.multi_reduction <add>, %convert_element_type3A_38, %reduce_sum3A [0] : vector<256x256xf32> to vector<256xf32>
    %convert_element_type3A_40 = arith.truncf %reduce_sum3A_39 : vector<256xf32> to vector<256xbf16>
    %convert_element_type3A_41 = arith.extf %convert_element_type3A_40 : vector<256xbf16> to vector<256xf32>
    %add3A = arith.constant 1.000000e+00 : f32
    %add3A_42 = vector.broadcast %add3A : f32 to vector<256xf32>
    %add3A_43 = arith.addf %convert_element_type3A_41, %add3A_42 : vector<256xf32>
    %div3A = arith.constant 1.000000e+00 : f32
    %div3A_44 = vector.broadcast %div3A : f32 to vector<256xf32>
    %div3A_45 = arith.divf %div3A_44, %add3A_43 : vector<256xf32>
    %broadcast_in_dim3A = vector.shape_cast %div3A_45 : vector<256xf32> to vector<1x256xf32>
    %dot_general3A_46 = arith.constant dense<0.000000e+00> : vector<2048x2048xf32>
    %dot_general3A_47 = tpu.matmul %convert_element_type3A, %convert_element_type3A_33, %dot_general3A_46 {dimension_numbers = #tpu.dot_dimension_numbers<[0], [1], [1], [0], [0, 1, 1, 0], [], []>, transpose_lhs_hint = false} : vector<256x2048xbf16>, vector<2048x256xbf16>, vector<2048x2048xf32> -> vector<2048x2048xf32>
    %convert_element_type3A_48 = arith.truncf %dot_general3A_47 : vector<2048x2048xf32> to vector<2048x2048xbf16>
    %min3A_49 = arith.constant 1.000000e+00 : bf16
    %min3A_50 = vector.broadcast %min3A_49 : bf16 to vector<2048x2048xbf16>
    %min3A_51 = arith.minimumf %convert_element_type3A_48, %min3A_50 : vector<2048x2048xbf16>
    %dma_wait3A_52 = arith.constant 2 : i32
    %dma_wait3A_53 = tpu.memref_slice %arg17[%dma_wait3A_52] : memref<8x!tpu.dma_semaphore, #tpu.memory_space<semaphore_mem>> -> memref<1x!tpu.dma_semaphore, #tpu.memory_space<semaphore_mem>>
    %dma_wait3A_54 = tpu.memref_squeeze %dma_wait3A_53 : memref<1x!tpu.dma_semaphore, #tpu.memory_space<semaphore_mem>> -> memref<!tpu.dma_semaphore, #tpu.memory_space<semaphore_mem>>
    tpu.wait_dma2 semaphore(%dma_wait3A_54 : memref<!tpu.dma_semaphore, #tpu.memory_space<semaphore_mem>>) src(%arg0 : memref<256x2048xf32, #tpu.memory_space<hbm>>) dst(%arg11 : memref<256x2048xf32, #tpu.memory_space<vmem>>)
    %dma_wait3A_55 = arith.constant 3 : i32
    %dma_wait3A_56 = tpu.memref_slice %arg17[%dma_wait3A_55] : memref<8x!tpu.dma_semaphore, #tpu.memory_space<semaphore_mem>> -> memref<1x!tpu.dma_semaphore, #tpu.memory_space<semaphore_mem>>
    %dma_wait3A_57 = tpu.memref_squeeze %dma_wait3A_56 : memref<1x!tpu.dma_semaphore, #tpu.memory_space<semaphore_mem>> -> memref<!tpu.dma_semaphore, #tpu.memory_space<semaphore_mem>>
    tpu.wait_dma2 semaphore(%dma_wait3A_57 : memref<!tpu.dma_semaphore, #tpu.memory_space<semaphore_mem>>) src(%arg3 : memref<128x2304xf32, #tpu.memory_space<hbm>>) dst(%arg12 : memref<128x2304xf32, #tpu.memory_space<vmem>>)
    %dma_wait3A_58 = arith.constant 4 : i32
    %dma_wait3A_59 = tpu.memref_slice %arg17[%dma_wait3A_58] : memref<8x!tpu.dma_semaphore, #tpu.memory_space<semaphore_mem>> -> memref<1x!tpu.dma_semaphore, #tpu.memory_space<semaphore_mem>>
    %dma_wait3A_60 = tpu.memref_squeeze %dma_wait3A_59 : memref<1x!tpu.dma_semaphore, #tpu.memory_space<semaphore_mem>> -> memref<!tpu.dma_semaphore, #tpu.memory_space<semaphore_mem>>
    tpu.wait_dma2 semaphore(%dma_wait3A_60 : memref<!tpu.dma_semaphore, #tpu.memory_space<semaphore_mem>>) src(%arg4 : memref<128x4096xf32, #tpu.memory_space<hbm>>) dst(%arg13 : memref<128x4096xf32, #tpu.memory_space<vmem>>)
    %dma_wait3A_61 = arith.constant 5 : i32
    %dma_wait3A_62 = tpu.memref_slice %arg17[%dma_wait3A_61] : memref<8x!tpu.dma_semaphore, #tpu.memory_space<semaphore_mem>> -> memref<1x!tpu.dma_semaphore, #tpu.memory_space<semaphore_mem>>
    %dma_wait3A_63 = tpu.memref_squeeze %dma_wait3A_62 : memref<1x!tpu.dma_semaphore, #tpu.memory_space<semaphore_mem>> -> memref<!tpu.dma_semaphore, #tpu.memory_space<semaphore_mem>>
    tpu.wait_dma2 semaphore(%dma_wait3A_63 : memref<!tpu.dma_semaphore, #tpu.memory_space<semaphore_mem>>) src(%arg5 : memref<128x2304xf32, #tpu.memory_space<hbm>>) dst(%arg14 : memref<128x2304xf32, #tpu.memory_space<vmem>>)
    %dma_wait3A_64 = arith.constant 6 : i32
    %dma_wait3A_65 = tpu.memref_slice %arg17[%dma_wait3A_64] : memref<8x!tpu.dma_semaphore, #tpu.memory_space<semaphore_mem>> -> memref<1x!tpu.dma_semaphore, #tpu.memory_space<semaphore_mem>>
    %dma_wait3A_66 = tpu.memref_squeeze %dma_wait3A_65 : memref<1x!tpu.dma_semaphore, #tpu.memory_space<semaphore_mem>> -> memref<!tpu.dma_semaphore, #tpu.memory_space<semaphore_mem>>
    tpu.wait_dma2 semaphore(%dma_wait3A_66 : memref<!tpu.dma_semaphore, #tpu.memory_space<semaphore_mem>>) src(%arg6 : memref<128x512xf32, #tpu.memory_space<hbm>>) dst(%arg15 : memref<128x512xf32, #tpu.memory_space<vmem>>)
    %dma_wait3A_67 = arith.constant 7 : i32
    %dma_wait3A_68 = tpu.memref_slice %arg17[%dma_wait3A_67] : memref<8x!tpu.dma_semaphore, #tpu.memory_space<semaphore_mem>> -> memref<1x!tpu.dma_semaphore, #tpu.memory_space<semaphore_mem>>
    %dma_wait3A_69 = tpu.memref_squeeze %dma_wait3A_68 : memref<1x!tpu.dma_semaphore, #tpu.memory_space<semaphore_mem>> -> memref<!tpu.dma_semaphore, #tpu.memory_space<semaphore_mem>>
    tpu.wait_dma2 semaphore(%dma_wait3A_69 : memref<!tpu.dma_semaphore, #tpu.memory_space<semaphore_mem>>) src(%arg7 : memref<128x512xf32, #tpu.memory_space<hbm>>) dst(%arg16 : memref<128x512xf32, #tpu.memory_space<vmem>>)
    %get3A_70 = arith.constant 0 : index
    %get3A_71 = arith.constant 0 : index
    %get3A_72 = vector.load %arg11[%get3A_70, %get3A_71] : memref<256x2048xf32, #tpu.memory_space<vmem>>, vector<256x2048xf32>
    %convert_element_type3A_73 = arith.truncf %get3A_72 : vector<256x2048xf32> to vector<256x2048xbf16>
    %get3A_74 = arith.constant 0 : index
    %get3A_75 = arith.constant 0 : index
    %get3A_76 = vector.load %arg12[%get3A_74, %get3A_75] : memref<128x2304xf32, #tpu.memory_space<vmem>>, vector<128x2304xf32>
    %convert_element_type3A_77 = arith.truncf %get3A_76 : vector<128x2304xf32> to vector<128x2304xbf16>
    %get3A_78 = arith.constant 0 : index
    %get3A_79 = arith.constant 0 : index
    %get3A_80 = vector.load %arg13[%get3A_78, %get3A_79] : memref<128x4096xf32, #tpu.memory_space<vmem>>, vector<128x4096xf32>
    %convert_element_type3A_81 = arith.truncf %get3A_80 : vector<128x4096xf32> to vector<128x4096xbf16>
    %get3A_82 = arith.constant 0 : index
    %get3A_83 = arith.constant 0 : index
    %get3A_84 = vector.load %arg14[%get3A_82, %get3A_83] : memref<128x2304xf32, #tpu.memory_space<vmem>>, vector<128x2304xf32>
    %convert_element_type3A_85 = arith.truncf %get3A_84 : vector<128x2304xf32> to vector<128x2304xbf16>
    %get3A_86 = arith.constant 0 : index
    %get3A_87 = arith.constant 0 : index
    %get3A_88 = vector.load %arg15[%get3A_86, %get3A_87] : memref<128x512xf32, #tpu.memory_space<vmem>>, vector<128x512xf32>
    %convert_element_type3A_89 = arith.truncf %get3A_88 : vector<128x512xf32> to vector<128x512xbf16>
    %get3A_90 = arith.constant 0 : index
    %get3A_91 = arith.constant 0 : index
    %get3A_92 = vector.load %arg16[%get3A_90, %get3A_91] : memref<128x512xf32, #tpu.memory_space<vmem>>, vector<128x512xf32>
    %convert_element_type3A_93 = arith.truncf %get3A_92 : vector<128x512xf32> to vector<128x512xbf16>
    %slice3A = vector.extract_strided_slice %convert_element_type3A_77 {offsets = [0, 0], sizes = [128, 2048], strides = [1, 1]} : vector<128x2304xbf16> to vector<128x2048xbf16>
    %dot_general3A_94 = arith.constant dense<0.000000e+00> : vector<128x256xf32>
    %dot_general3A_95 = tpu.matmul %slice3A, %convert_element_type3A_73, %dot_general3A_94 {dimension_numbers = #tpu.dot_dimension_numbers<[1], [1], [0], [0], [0, 0, 1, 0], [], []>, transpose_lhs_hint = false} : vector<128x2048xbf16>, vector<256x2048xbf16>, vector<128x256xf32> -> vector<128x256xf32>
    %slice3A_96 = vector.extract_strided_slice %convert_element_type3A_81 {offsets = [0, 0], sizes = [128, 2048], strides = [1, 1]} : vector<128x4096xbf16> to vector<128x2048xbf16>
    %dot_general3A_97 = arith.constant dense<0.000000e+00> : vector<128x256xf32>
    %dot_general3A_98 = tpu.matmul %slice3A_96, %convert_element_type3A_73, %dot_general3A_97 {dimension_numbers = #tpu.dot_dimension_numbers<[1], [1], [0], [0], [0, 0, 1, 0], [], []>, transpose_lhs_hint = false} : vector<128x2048xbf16>, vector<256x2048xbf16>, vector<128x256xf32> -> vector<128x256xf32>
    %slice3A_99 = vector.extract_strided_slice %convert_element_type3A_85 {offsets = [0, 0], sizes = [128, 256], strides = [1, 1]} : vector<128x2304xbf16> to vector<128x256xbf16>
    %dot_general3A_100 = arith.constant dense<0.000000e+00> : vector<128x2048xf32>
    %dot_general3A_101 = tpu.matmul %slice3A_99, %convert_element_type3A_73, %dot_general3A_100 {dimension_numbers = #tpu.dot_dimension_numbers<[1], [0], [0], [1], [0, 0, 1, 1], [], []>, transpose_lhs_hint = false} : vector<128x256xbf16>, vector<256x2048xbf16>, vector<128x2048xf32> -> vector<128x2048xf32>
    %slice3A_102 = vector.extract_strided_slice %convert_element_type3A_89 {offsets = [0, 0], sizes = [128, 256], strides = [1, 1]} : vector<128x512xbf16> to vector<128x256xbf16>
    %dot_general3A_103 = arith.constant dense<0.000000e+00> : vector<128x2048xf32>
    %dot_general3A_104 = tpu.matmul %slice3A_102, %convert_element_type3A_73, %dot_general3A_103 {dimension_numbers = #tpu.dot_dimension_numbers<[1], [0], [0], [1], [0, 0, 1, 1], [], []>, transpose_lhs_hint = false} : vector<128x256xbf16>, vector<256x2048xbf16>, vector<128x2048xf32> -> vector<128x2048xf32>
    %slice3A_105 = vector.extract_strided_slice %convert_element_type3A_77 {offsets = [0, 2048], sizes = [128, 256], strides = [1, 1]} : vector<128x2304xbf16> to vector<128x256xbf16>
    %dot_general3A_106 = arith.constant dense<0.000000e+00> : vector<128x2048xf32>
    %dot_general3A_107 = tpu.matmul %slice3A_105, %convert_element_type3A_73, %dot_general3A_106 {dimension_numbers = #tpu.dot_dimension_numbers<[1], [0], [0], [1], [0, 0, 1, 1], [], []>, transpose_lhs_hint = false} : vector<128x256xbf16>, vector<256x2048xbf16>, vector<128x2048xf32> -> vector<128x2048xf32>
    %convert_element_type3A_108 = arith.truncf %dot_general3A_107 : vector<128x2048xf32> to vector<128x2048xbf16>
    %slice3A_109 = vector.extract_strided_slice %convert_element_type3A_81 {offsets = [0, 2048], sizes = [128, 2048], strides = [1, 1]} : vector<128x4096xbf16> to vector<128x2048xbf16>
    %dot_general3A_110 = arith.constant dense<0.000000e+00> : vector<128x256xf32>
    %dot_general3A_111 = tpu.matmul %slice3A_109, %convert_element_type3A_73, %dot_general3A_110 {dimension_numbers = #tpu.dot_dimension_numbers<[1], [1], [0], [0], [0, 0, 1, 0], [], []>, transpose_lhs_hint = false} : vector<128x2048xbf16>, vector<256x2048xbf16>, vector<128x256xf32> -> vector<128x256xf32>
    %convert_element_type3A_112 = arith.truncf %dot_general3A_111 : vector<128x256xf32> to vector<128x256xbf16>
    %slice3A_113 = vector.extract_strided_slice %convert_element_type3A_85 {offsets = [0, 256], sizes = [128, 2048], strides = [1, 1]} : vector<128x2304xbf16> to vector<128x2048xbf16>
    %dot_general3A_114 = arith.constant dense<0.000000e+00> : vector<128x256xf32>
    %dot_general3A_115 = tpu.matmul %slice3A_113, %convert_element_type3A_73, %dot_general3A_114 {dimension_numbers = #tpu.dot_dimension_numbers<[1], [1], [0], [0], [0, 0, 1, 0], [], []>, transpose_lhs_hint = false} : vector<128x2048xbf16>, vector<256x2048xbf16>, vector<128x256xf32> -> vector<128x256xf32>
    %convert_element_type3A_116 = arith.truncf %dot_general3A_115 : vector<128x256xf32> to vector<128x256xbf16>
    %slice3A_117 = vector.extract_strided_slice %convert_element_type3A_89 {offsets = [0, 256], sizes = [128, 256], strides = [1, 1]} : vector<128x512xbf16> to vector<128x256xbf16>
    %dot_general3A_118 = arith.constant dense<0.000000e+00> : vector<128x2048xf32>
    %dot_general3A_119 = tpu.matmul %slice3A_117, %convert_element_type3A_73, %dot_general3A_118 {dimension_numbers = #tpu.dot_dimension_numbers<[1], [0], [0], [1], [0, 0, 1, 1], [], []>, transpose_lhs_hint = false} : vector<128x256xbf16>, vector<256x2048xbf16>, vector<128x2048xf32> -> vector<128x2048xf32>
    %convert_element_type3A_120 = arith.truncf %dot_general3A_119 : vector<128x2048xf32> to vector<128x2048xbf16>
    %broadcast_in_dim3A_121 = arith.constant 1.000000e+00 : bf16
    %broadcast_in_dim3A_122 = vector.broadcast %broadcast_in_dim3A_121 : bf16 to vector<8x2048xbf16>
    %broadcast_in_dim3A_123 = arith.constant 1.000000e+00 : bf16
    %broadcast_in_dim3A_124 = vector.broadcast %broadcast_in_dim3A_123 : bf16 to vector<8x256xbf16>
    %concatenate3A = tpu.concatenate %convert_element_type3A_108, %broadcast_in_dim3A_122 in 0 : vector<128x2048xbf16>, vector<8x2048xbf16> -> vector<136x2048xbf16>
    %dot_general3A_125 = arith.constant dense<0.000000e+00> : vector<136x256xf32>
    %dot_general3A_126 = tpu.matmul %concatenate3A, %convert_element_type3A, %dot_general3A_125 {dimension_numbers = #tpu.dot_dimension_numbers<[1], [1], [0], [0], [0, 0, 1, 0], [], []>, transpose_lhs_hint = false} : vector<136x2048xbf16>, vector<256x2048xbf16>, vector<136x256xf32> -> vector<136x256xf32>
    %slice3A_127 = vector.extract_strided_slice %dot_general3A_126 {offsets = [128, 0], sizes = [1, 256], strides = [1, 1]} : vector<136x256xf32> to vector<1x256xf32>
    %add3A_128 = arith.constant 1.000000e+00 : f32
    %add3A_129 = vector.broadcast %add3A_128 : f32 to vector<1x256xf32>
    %add3A_130 = arith.addf %slice3A_127, %add3A_129 : vector<1x256xf32>
    %div3A_131 = arith.constant 1.000000e+00 : f32
    %div3A_132 = vector.broadcast %div3A_131 : f32 to vector<1x256xf32>
    %div3A_133 = arith.divf %div3A_132, %add3A_130 : vector<1x256xf32>
    %slice3A_134 = vector.extract_strided_slice %dot_general3A_126 {offsets = [0, 0], sizes = [128, 256], strides = [1, 1]} : vector<136x256xf32> to vector<128x256xf32>
    %mul3A = vector.broadcast %div3A_133 : vector<1x256xf32> to vector<128x256xf32>
    %mul3A_135 = arith.mulf %slice3A_134, %mul3A : vector<128x256xf32>
    %add3A_136 = arith.addf %dot_general3A_95, %mul3A_135 : vector<128x256xf32>
    %max3A = arith.constant 0.000000e+00 : f32
    %max3A_137 = vector.broadcast %max3A : f32 to vector<128x256xf32>
    %max3A_138 = arith.maximumf %add3A_136, %max3A_137 : vector<128x256xf32>
    %dot_general3A_139 = arith.constant dense<0.000000e+00> : vector<128x256xf32>
    %dot_general3A_140 = tpu.matmul %convert_element_type3A_112, %min3A_37, %dot_general3A_139 {dimension_numbers = #tpu.dot_dimension_numbers<[1], [0], [0], [1], [0, 0, 1, 1], [], []>, transpose_lhs_hint = false} : vector<128x256xbf16>, vector<256x256xbf16>, vector<128x256xf32> -> vector<128x256xf32>
    %mul3A_141 = vector.broadcast %broadcast_in_dim3A : vector<1x256xf32> to vector<128x256xf32>
    %mul3A_142 = arith.mulf %dot_general3A_140, %mul3A_141 : vector<128x256xf32>
    %add3A_143 = arith.addf %dot_general3A_98, %mul3A_142 : vector<128x256xf32>
    %max3A_144 = arith.constant 0.000000e+00 : f32
    %max3A_145 = vector.broadcast %max3A_144 : f32 to vector<128x256xf32>
    %max3A_146 = arith.maximumf %add3A_143, %max3A_145 : vector<128x256xf32>
    %concatenate3A_147 = tpu.concatenate %convert_element_type3A_116, %broadcast_in_dim3A_124 in 0 : vector<128x256xbf16>, vector<8x256xbf16> -> vector<136x256xbf16>
    %dot_general3A_148 = arith.constant dense<0.000000e+00> : vector<136x2048xf32>
    %dot_general3A_149 = tpu.matmul %concatenate3A_147, %convert_element_type3A_33, %dot_general3A_148 {dimension_numbers = #tpu.dot_dimension_numbers<[1], [1], [0], [0], [0, 0, 1, 0], [], []>, transpose_lhs_hint = false} : vector<136x256xbf16>, vector<2048x256xbf16>, vector<136x2048xf32> -> vector<136x2048xf32>
    %slice3A_150 = vector.extract_strided_slice %dot_general3A_149 {offsets = [128, 0], sizes = [1, 2048], strides = [1, 1]} : vector<136x2048xf32> to vector<1x2048xf32>
    %add3A_151 = arith.constant 1.000000e+00 : f32
    %add3A_152 = vector.broadcast %add3A_151 : f32 to vector<1x2048xf32>
    %add3A_153 = arith.addf %slice3A_150, %add3A_152 : vector<1x2048xf32>
    %div3A_154 = arith.constant 1.000000e+00 : f32
    %div3A_155 = vector.broadcast %div3A_154 : f32 to vector<1x2048xf32>
    %div3A_156 = arith.divf %div3A_155, %add3A_153 : vector<1x2048xf32>
    %slice3A_157 = vector.extract_strided_slice %dot_general3A_149 {offsets = [0, 0], sizes = [128, 2048], strides = [1, 1]} : vector<136x2048xf32> to vector<128x2048xf32>
    %mul3A_158 = vector.broadcast %div3A_156 : vector<1x2048xf32> to vector<128x2048xf32>
    %mul3A_159 = arith.mulf %slice3A_157, %mul3A_158 : vector<128x2048xf32>
    %add3A_160 = arith.addf %dot_general3A_101, %mul3A_159 : vector<128x2048xf32>
    %max3A_161 = arith.constant 0.000000e+00 : f32
    %max3A_162 = vector.broadcast %max3A_161 : f32 to vector<128x2048xf32>
    %max3A_163 = arith.maximumf %add3A_160, %max3A_162 : vector<128x2048xf32>
    %concatenate3A_164 = tpu.concatenate %convert_element_type3A_120, %broadcast_in_dim3A_122 in 0 : vector<128x2048xbf16>, vector<8x2048xbf16> -> vector<136x2048xbf16>
    %dot_general3A_165 = arith.constant dense<0.000000e+00> : vector<136x2048xf32>
    %dot_general3A_166 = tpu.matmul %concatenate3A_164, %min3A_51, %dot_general3A_165 {dimension_numbers = #tpu.dot_dimension_numbers<[1], [0], [0], [1], [0, 0, 1, 1], [], []>, transpose_lhs_hint = false} : vector<136x2048xbf16>, vector<2048x2048xbf16>, vector<136x2048xf32> -> vector<136x2048xf32>
    %slice3A_167 = vector.extract_strided_slice %dot_general3A_166 {offsets = [128, 0], sizes = [1, 2048], strides = [1, 1]} : vector<136x2048xf32> to vector<1x2048xf32>
    %add3A_168 = arith.constant 1.000000e+00 : f32
    %add3A_169 = vector.broadcast %add3A_168 : f32 to vector<1x2048xf32>
    %add3A_170 = arith.addf %slice3A_167, %add3A_169 : vector<1x2048xf32>
    %div3A_171 = arith.constant 1.000000e+00 : f32
    %div3A_172 = vector.broadcast %div3A_171 : f32 to vector<1x2048xf32>
    %div3A_173 = arith.divf %div3A_172, %add3A_170 : vector<1x2048xf32>
    %slice3A_174 = vector.extract_strided_slice %dot_general3A_166 {offsets = [0, 0], sizes = [128, 2048], strides = [1, 1]} : vector<136x2048xf32> to vector<128x2048xf32>
    %mul3A_175 = vector.broadcast %div3A_173 : vector<1x2048xf32> to vector<128x2048xf32>
    %mul3A_176 = arith.mulf %slice3A_174, %mul3A_175 : vector<128x2048xf32>
    %add3A_177 = arith.addf %dot_general3A_104, %mul3A_176 : vector<128x2048xf32>
    %max3A_178 = arith.constant 0.000000e+00 : f32
    %max3A_179 = vector.broadcast %max3A_178 : f32 to vector<128x2048xf32>
    %max3A_180 = arith.maximumf %add3A_177, %max3A_179 : vector<128x2048xf32>
    %concatenate3A_181 = tpu.concatenate %max3A_138, %max3A_146 in 0 : vector<128x256xf32>, vector<128x256xf32> -> vector<256x256xf32>
    %convert_element_type3A_182 = arith.truncf %concatenate3A_181 : vector<256x256xf32> to vector<256x256xbf16>
    %concatenate3A_183 = tpu.concatenate %max3A_163, %max3A_180 in 0 : vector<128x2048xf32>, vector<128x2048xf32> -> vector<256x2048xf32>
    %convert_element_type3A_184 = arith.truncf %concatenate3A_183 : vector<256x2048xf32> to vector<256x2048xbf16>
    %dot_general3A_185 = arith.constant dense<0.000000e+00> : vector<256x256xf32>
    %dot_general3A_186 = tpu.matmul %convert_element_type3A_184, %convert_element_type3A, %dot_general3A_185 {dimension_numbers = #tpu.dot_dimension_numbers<[1], [1], [0], [0], [0, 0, 1, 0], [], []>, transpose_lhs_hint = false} : vector<256x2048xbf16>, vector<256x2048xbf16>, vector<256x256xf32> -> vector<256x256xf32>
    %convert_element_type3A_187 = arith.truncf %dot_general3A_186 : vector<256x256xf32> to vector<256x256xbf16>
    %slice3A_188 = vector.extract_strided_slice %convert_element_type3A_93 {offsets = [0, 0], sizes = [128, 256], strides = [1, 1]} : vector<128x512xbf16> to vector<128x256xbf16>
    %dot_general3A_189 = arith.constant dense<0.000000e+00> : vector<128x256xf32>
    %dot_general3A_190 = tpu.matmul %slice3A_188, %convert_element_type3A_182, %dot_general3A_189 {dimension_numbers = #tpu.dot_dimension_numbers<[1], [0], [0], [1], [0, 0, 1, 1], [], []>, transpose_lhs_hint = false} : vector<128x256xbf16>, vector<256x256xbf16>, vector<128x256xf32> -> vector<128x256xf32>
    %slice3A_191 = vector.extract_strided_slice %convert_element_type3A_93 {offsets = [0, 256], sizes = [128, 256], strides = [1, 1]} : vector<128x512xbf16> to vector<128x256xbf16>
    %dot_general3A_192 = arith.constant dense<0.000000e+00> : vector<128x256xf32>
    %dot_general3A_193 = tpu.matmul %slice3A_191, %convert_element_type3A_187, %dot_general3A_192 {dimension_numbers = #tpu.dot_dimension_numbers<[1], [0], [0], [1], [0, 0, 1, 1], [], []>, transpose_lhs_hint = false} : vector<128x256xbf16>, vector<256x256xbf16>, vector<128x256xf32> -> vector<128x256xf32>
    %mul3A_194 = vector.broadcast %div3A_133 : vector<1x256xf32> to vector<128x256xf32>
    %mul3A_195 = arith.mulf %dot_general3A_193, %mul3A_194 : vector<128x256xf32>
    %add3A_196 = arith.addf %dot_general3A_190, %mul3A_195 : vector<128x256xf32>
    %max3A_197 = arith.constant 0.000000e+00 : f32
    %max3A_198 = vector.broadcast %max3A_197 : f32 to vector<128x256xf32>
    %max3A_199 = arith.maximumf %add3A_196, %max3A_198 : vector<128x256xf32>
    %swap3A = arith.constant 0 : index
    %swap3A_200 = arith.constant 0 : index
    %swap3A_201 = vector.load %arg8[%swap3A, %swap3A_200] : memref<128x256xf32, #tpu.memory_space<vmem>>, vector<128x256xf32>
    tpu.vector_store %arg8[%swap3A, %swap3A_200], %max3A_199 {strides = array<i32>} : memref<128x256xf32, #tpu.memory_space<vmem>>, vector<128x256xf32>,
    return
  }
}

</mosaic_0001>

<sc_bundles>
// kernel: kernel.4.cloned.1.call-start
scs
__scs_entry_jumppad:
0x0: {  	(pc) =	sbr.rel $0x88, $3  }
0x1: {  	(tag) =	ssettag $0x0;
	lr =	simm.s32 $0x1  }
0x2: {  	[smem:$0x3F99] =	sst lr;
	_ =	strace $0xD0000000  }
0x3: {  	_ = 	snop  }
0x4: {  	_ = 	snop  }
0x5: {  	_ = 	snop  }
0x6: {  	_ = 	snop  }
0x7: {  	_ = 	snop  }
__scs_overlays_trampoline_lowered:
0x8: {  	[smem:$0x3FA8] =	sst s0  }
0x9: {  	[smem:$0x3FA9] =	sst s1  }
0xa: {  	[smem:$0x3FAA] =	sst s2  }
0xb: {  	[smem:$0x3FAB] =	sst s3  }
0xc: {  	[smem:$0x3FAC] =	sst s4  }
0xd: {  	[smem:$0x3FAD] =	sst s5  }
0xe: {  	[smem:$0x3FAE] =	sst s6  }
0xf: {  	[smem:$0x3FAF] =	sst s7  }
0x10: {  	[smem:$0x3FB0] =	sst s8  }
0x11: {  	[smem:$0x3FB1] =	sst s9;
	s0 =	simm.s32 @!p0 $0x0  }
0x12: {  	s1 =	sld [smem:$0x3F97];
	s0 =	simm.s32 @p0 $0x1  }
0x13: {  	[smem:$0x3FB2] =	sst s0;
	s0 =	simm.s32 @!p1 $0x0  }
0x14: {  	s2 =	sld [smem:$0x3F96];
	s0 =	simm.s32 @p1 $0x1  }
0x15: {  	[smem:$0x3FB3] =	sst s0;
	s0 =	simm.s32 @!p2 $0x0  }
0x16: {  	s3 =	sld [smem:$0x3FDB];
	s0 =	simm.s32 @p2 $0x1  }
0x17: {  	s4 =	simm.s32 $0x1BF5;
	[smem:$0x3FB5] =	sst s0  }
0x18: {  	s0 =	sld [smem:$0x3F98];
	_ =	swait.ge [sflag:s4], $0x0  }
0x19: {  	s7 =	sld [smem:$0x3F99]  }
0x1a: {  	s8 =	sadd.s32 $0xFFFFE003, lr  }
0x1b: {  	s9 =	sadd.s32 $0xFFFFFEF7, lr;
	s5 =	simm.s32 $0xFFFFFFFF;
	p2 =	slt.u32 s8, $0xFFFFF086  }
0x1c: {  	p1 =	slt.u32 s9, $0xF7A;
	s5 =	simm.s32 @!p2 $0x0  }
0x1d: {  	s5 =	simm.s32 @p1 $0x1;
	p0 =	seq.s32 s7, s2  }
0x1e: {  	s7 =	smul.u32 @!p0 $0xF7A, s2;
	p2 =	seq.s32 @!p0 s5, $0x0  }
0x1f: {  	s9 =	smul.u32 $0xF7A, s1;
	s8 =	simm.s32 @!p0 $0x1BF5;
	p2 =	por !p2, p0  }
0x20: {  	[sflag:s8] =	ssyncset.s32 @!p0 $0xFFFFF086;
	s6 =	sadd.s32 @!p0 s3, s7;
	s7 =	simm.s32 @!p0 $0x108  }
0x21: {  	s3 =	sadd.s32 s3, s9;
	s6 =	sadd.s32 @!p0 $0x88, s6;
	s7 =	simm.s32 @p2 $0x1082  }
0x22: {  	[simem:s7], [sflag:s8] =	dma.local @!p0 [hbm:s6], $0xF7A  }
0x23: {  	s9 =	sor.u32 $0xD0000000, s2;
	s6 =	simm.s32 $0x108;
	_ =	swait.ge @!p0 [sflag:s8], $0x0  }
0x24: {  	s3 =	sadd.s32 $0x88, s3;
	s6 =	simm.s32 @!p1 $0x1082;
	[sflag:s4] =	ssyncset.s32 $0xFFFFF086  }
0x25: {  	[simem:s6], [sflag:s4] =	dma.local [hbm:s3], $0xF7A  }
0x26: {  	[smem:$0x3F99] =	sst s1;
	(tag) =	ssettag s2;
	_ =	strace s9  }
0x27: {  	s1 =	sld [smem:$0x3FA9]  }
0x28: {  	s2 =	sld [smem:$0x3FAA]  }
0x29: {  	s4 =	sld [smem:$0x3FAC]  }
0x2a: {  	p0 =	seq.s32 s5, $0x0;
	s5 =	sld [smem:$0x3FAD]  }
0x2b: {  	s6 =	sld [smem:$0x3FAE]  }
0x2c: {  	s7 =	sld [smem:$0x3FAF]  }
0x2d: {  	s3 =	simm.s32 $0x108;
	s8 =	sld [smem:$0x3FB0]  }
0x2e: {  	s3 =	simm.s32 @!p0 $0x1082;
	s9 =	sld [smem:$0x3FB1]  }
0x2f: {  	lr =	sadd.s32 s0, s3;
	s0 =	sld [smem:$0x3FA8]  }
0x30: {  	s3 =	sld [smem:$0x3FAB]  }
0x31: {  	[smem:$0x3FB4] =	sst s10  }
0x32: {  	s10 =	sld [smem:$0x3FB2];
	_ =	sdelay $0x3  }
0x33: {  	p0 =	seq.s32 s10, $0x1;
	s10 =	sld [smem:$0x3FB4];
	_ =	sdelay $0x3  }
0x34: {  	[smem:$0x3FB4] =	sst s10  }
0x35: {  	s10 =	sld [smem:$0x3FB3];
	_ =	sdelay $0x3  }
0x36: {  	p1 =	seq.s32 s10, $0x1;
	s10 =	sld [smem:$0x3FB4];
	_ =	sdelay $0x3  }
0x37: {  	[smem:$0x3FB4] =	sst s10  }
0x38: {  	s10 =	sld [smem:$0x3FB5]  }
0x39: {  	_ = 	snop;
	(pc) =	sbr.ind lr, $3  }
0x3a: {  	_ = 	snop  }
0x3b: {  	_ = 	snop  }
0x3c: {  	p2 =	seq.s32 s10, $0x1;
	s10 =	sld [smem:$0x3FB4]  }
0x3d: {  	_ =	shalt  }
0x3e: {  	_ =	shalt  }
0x3f: {  	_ =	shalt  }
0x40: {  	_ =	shalt  }
0x41: {  	_ =	shalt  }
0x42: {  	_ =	shalt  }
0x43: {  	_ =	shalt  }
0x44: {  	_ =	shalt  }
0x45: {  	_ =	shalt  }
0x46: {  	_ =	shalt  }
0x47: {  	_ =	shalt  }
0x48: {  	_ =	shalt  }
0x49: {  	_ =	shalt  }
0x4a: {  	_ =	shalt  }
0x4b: {  	_ =	shalt  }
0x4c: {  	_ =	shalt  }
0x4d: {  	_ =	shalt  }
0x4e: {  	_ =	shalt  }
0x4f: {  	_ =	shalt  }
0x50: {  	_ =	shalt  }
0x51: {  	_ =	shalt  }
0x52: {  	_ =	shalt  }
0x53: {  	_ =	shalt  }
0x54: {  	_ =	shalt  }
0x55: {  	_ =	shalt  }
0x56: {  	_ =	shalt  }
0x57: {  	_ =	shalt  }
0x58: {  	_ =	shalt  }
0x59: {  	_ =	shalt  }
0x5a: {  	_ =	shalt  }
0x5b: {  	_ =	shalt  }
0x5c: {  	_ =	shalt  }
0x5d: {  	_ =	shalt  }
0x5e: {  	_ =	shalt  }
0x5f: {  	_ =	shalt  }
0x60: {  	_ =	shalt  }
0x61: {  	_ =	shalt  }
0x62: {  	_ =	shalt  }
0x63: {  	_ =	shalt  }
0x64: {  	_ =	shalt  }
0x65: {  	_ =	shalt  }
0x66: {  	_ =	shalt  }
0x67: {  	_ =	shalt  }
0x68: {  	_ =	shalt  }
0x69: {  	_ =	shalt  }
0x6a: {  	_ =	shalt  }
0x6b: {  	_ =	shalt  }
0x6c: {  	_ =	shalt  }
0x6d: {  	_ =	shalt  }
0x6e: {  	_ =	shalt  }
0x6f: {  	_ =	shalt  }
0x70: {  	_ =	shalt  }
0x71: {  	_ =	shalt  }
0x72: {  	_ =	shalt  }
0x73: {  	_ =	shalt  }
0x74: {  	_ =	shalt  }
0x75: {  	_ =	shalt  }
0x76: {  	_ =	shalt  }
0x77: {  	_ =	shalt  }
0x78: {  	_ =	shalt  }
0x79: {  	_ =	shalt  }
0x7a: {  	_ =	shalt  }
0x7b: {  	_ =	shalt  }
0x7c: {  	_ =	shalt  }
0x7d: {  	_ =	shalt  }
0x7e: {  	_ =	shalt  }
0x7f: {  	_ =	shalt  }
0x80: {  	_ =	shalt  }
0x81: {  	_ =	shalt  }
0x82: {  	_ =	shalt  }
0x83: {  	_ =	shalt  }
0x84: {  	_ =	shalt  }
0x85: {  	_ =	shalt  }
0x86: {  	_ =	shalt  }
0x87: {  	_ =	shalt  }
.Lfunc_end0:
.L_simem_size_0:
called_computation_lowered:
.L_overlay_start_0:
0x88: {  	s2 =	sld [smem:$0x3FD9]  }
0x89: {  	s3 =	sld [smem:$0x3FFE];
	_ =	sdelay $0x1  }
0x8a: {  	s1 =	srdreg.scid  }
0x8b: {  	s0 =	sand.u32 $0x1, s1  }
0x8c: {  	s17 =	sshll.u32 s0, $0xA;
	s2 =	sadd.s32 s3, s2  }
0x8d: {  	s2 =	sadd.s32 s2, s17  }
0x8e: {  	[smem:$0x3FC0] =	sst s2  }
0x8f: {  	_ = 	snop  }
0x90: {  	s2 =	sld [smem:$0x3FD0];
	(tm) =	ssettm $0x1  }
0x91: {  	s18 =	sld [smem:$0x3FFB];
	_ =	sdelay $0x3  }
0x92: {  	_ =	strace s18  }
0x93: {  	s3 =	sld [smem:$0x3FFC];
	_ =	sdelay $0x3  }
0x94: {  	_ =	strace s3  }
0x95: {  	s3 =	sld [smem:$0x3FFD];
	_ =	sdelay $0x3  }
0x96: {  	_ =	strace s3  }
0x97: {  	_ =	strace $0x8FFFFFFF  }
0x98: {  	s19 =	sld [smem:$0x3FDB];
	_ =	sdelay $0x1  }
0x99: {  	s4 =	simm.s32 $_scs_section_size  }
0x9a: {  	s5 =	simm.s32 $_size__tile_overlayer_lowered;
	s6 =	simm.s32 $_tile_overlayer_lowered  }
0x9b: {  	s22 =	simm.s32 $0x1BFF;
	s21 =	sshll.u32 s6, $0x1;
	s3 =	sadd.s32 s4, s19  }
0x9c: {  	s7 =	simm.s32 $0x0;
	s20 =	sshll.u32 s5, $0x1;
	s5 =	sadd.s32 s21, s3  }
0x9d: {  	[timem:s7], [sflag:s22] =	dma.local [hbm:s5], s20  }
0x9e: {  	_ =	swait.ge [sflag:s22], s20  }
0x9f: {  	s4 =	ssub.s32 $0x0, s20;
	[sflag:s22] =	ssyncset.done $0x0  }
0xa0: {  	[sflag:s22] =	ssyncadd.s32 s4;
	_ =	sdelay $0x1  }
0xa1: {  	s23 =	simm.s32 $0x1B8B  }
0xa2: {  	_ =	swait.ge [sflag:s23], $0x1  }
0xa3: {  	[sflag:s23] =	ssyncset.done $0x0  }
0xa4: {  	s25 =	simm.s32 $0x1B8E;
	s24 =	sld [smem:$0x3FFE];
	[sflag:s23] =	ssyncadd.s32 $0xFFFFFFFF  }
0xa5: {  	s26 =	simm.s32 $execute0_lowered;
	[smem:$0x3FD2] =	sst s25  }
0xa6: {  	s5 =	sshll.u32 s26, $0x1;
	_ =	strace $0x80000046;
	[dreg:$0x1] =	wrdreg $0xFFFFFFFF  }
0xa7: {  	s28 =	simm.s32 $_size_execute0_lowered;
	s3 =	sadd.s32 s3, s5;
	[dreg:$0x0] =	wrdreg $0x0  }
0xa8: {  	s5 =	sshll.u32 s28, $0x1;
	[dreg:$0x2] =	wrdreg s3  }
0xa9: {  	[dreg:$0x3] =	wrdreg s5  }
0xaa: {  	[dreg:$0x4] =	wrdreg $0xC0  }
0xab: {  	_ =	task [dreg:s7], $0x5FFFF  }
0xac: {  	[dreg:$0x1] =	wrdreg $0xFFFFFFFF  }
0xad: {  	[dreg:$0x0] =	wrdreg $0x60  }
0xae: {  	[dreg:$0x2] =	wrdreg s2  }
0xaf: {  	[dreg:$0x3] =	wrdreg s24  }
0xb0: {  	[dreg:$0x4] =	wrdreg $0x9  }
0xb1: {  	_ =	task.clear_ibuf [dreg:s7], $0x5FFFF;
	_ =	strace $0x90000046  }
0xb2: {  	s29 =	simm.s32 $0x9;
	_ =	strace $0x80000048  }
0xb3: {  	_ =	swait.ge [sflag:s29], $0x1  }
0xb4: {  	[sflag:s29] =	ssyncadd.s32 $0xFFFFFFFF  }
0xb5: {  	_ =	strace $0x90000048  }
0xb6: {  	_ =	sfence  }
0xb7: {  	s30 =	sld [smem:$0x0];
	_ =	sdelay $0x2  }
0xb8: {  	s31 =	sshll.u32 s1, $0xD;
	s1 =	sshrl.u32 s1, $0x2  }
0xb9: {  	s3 =	sand.u32 $0x4000, s31;
	s1 =	sadd.s32 s1, s30  }
0xba: {  	s0 =	sor.u32 s3, s0;
	s1 =	sshll.u32 s1, $0x11  }
0xbb: {  	s0 =	sor.u32 s1, s0  }
0xbc: {  	s0 =	sadd.s32 $0x8F2B, s0  }
0xbd: {  	[sflag:s0] =	ssyncadd.remote.s32 $0x1  }
0xbe: {  	_ =	sfence.sel $0xFFFF  }
0xbf: {  	[dreg:$0x0] =	wrdreg $0xFFFFFFFF;
	(pc) =	sbr.abs _section_cstart, $3  }
0xc0: {  	[dreg:$0x1] =	wrdreg $0xFFFFFFFF  }
0xc1: {  	_ =	task.clear_ibuf [dreg:s7], $0x2FFFF;
	_ =	strace $0x9FFFFFFF  }
0xc2: {  	(tm) =	ssettm $0x7FFFFFFF  }
0xc3: {  	_ =	shalt  }
tec
execute0_lowered:
.L_overlay_start_1:
0x0: {  	(tag) =	ssettag $0x1  }
0x1: {  	s4 =	rddreg [dreg:$0x0]  }
0x2: {  	s5 =	rddreg [dreg:$0x1]  }
0x3: {  	s0 =	rddreg [dreg:$0x2]  }
0x4: {  	s3 =	srdreg.scid;
	s1 =	stileid.u32  }
0x5: {  	s2 =	simm.s32 $0x0;
	s11 =	simm.s32 $0x800;
	s12 =	simm.s32 $0xA00  }
0x6: {  	s13 =	simm.s32 $0x0;
	s6 =	sand.u32 $0x1, s3;
	s30 =	sshll.u32 s1, $0x1  }
0x7: {  	[smem:$0x7FF] =	sst s2;
	s3 =	sadd.s32 $0x1400, s5;
	p0 =	sgt.u32 s1, $0x7  }
0x8: {  	s7 =	sor.u32 s6, s30;
	_ =	strace $0x80000047;
	s6 =	ssub.s32 $0x2, s6  }
0x9: {  	v2 =	vlaneseq.u32;
	s8 =	sshll.u32 s7, $0xC;
	s9 =	sadd.s32 $0xFFFFFFF0, s7;
	s31 =	sshrl.u32 s6, $0x1  }
.Ltmp0:
0xa: {  	v0 =	vmul.u32 $0x100, v2;
	s10 =	sshll.u32 s9, $0xC;
	s9 =	sshll.u32 s9, $0x4;
	(pc) =	sbr.rel .LBB2_1-.Ltmp0, $4  }
0xb: {  	v1 =	vimm.f32 $0.0e+00;
	s8 =	sadd.s32 s8, s5;
	s10 =	sand.u32 $0x1FFFF000, s10;
	s9 =	sand.u32 $0x1FFFFFF0, s9  }
0xc: {  	v3 =	vimm.f32 $1.000000000e+00;
	v2 =	vmul.u32 $0x800, v2;
	v4 =	vor.u32 $0x1000, v0;
	s5 =	sadd.s32 s10, s5;
	s10 =	ssub.s32 s6, s31;
	s4 =	sadd.s32 s4, s9  }
0xd: {  	v5 =	vor.u32 $0x2000, v0;
	v6 =	vor.u32 $0x3000, v0;
	v7 =	vor.u32 $0x4000, v0;
	s6 =	sshll.u32 s7, $0x4;
	s7 =	sadd.s32 $0x1600, s8;
	s9 =	simm.s32 $0x1  }
0xe: {  	v8 =	vor.u32 $0x5000, v0;
	v9 =	vor.u32 $0x6000, v0;
	v10 =	vor.u32 $0x7000, v0;
	s5 =	sadd.s32 $0x11600, s5;
	s8 =	smax.u32 s10, $0x1;
	s10 =	simm.s32 $0x80  }
.LBB2_7:
0xf: {  	[tilespmem:s15+$0x8F00] =	vst v1  }
0x10: {  	v11 =	vld [tilespmem:$0xA00];
	_ =	sdelay $0x4  }
0x11: {  	v11 =	vadd.s32 v0, v11;
	_ =	sdelay $0x3  }
0x12: {  	s14 =	simm.s32 $0x8F00  }
0x13: {  	[tilespmem:v11+s14+$0x0] =	vst.idx.msk $0xffff, v3  }
0x14: {  	v11 =	vld [tilespmem:$0xA10];
	_ =	sdelay $0x4  }
0x15: {  	v11 =	vadd.s32 v4, v11;
	_ =	sdelay $0x4  }
0x16: {  	[tilespmem:v11+s14+$0x0] =	vst.idx.msk $0xffff, v3  }
0x17: {  	v11 =	vld [tilespmem:$0xA20];
	_ =	sdelay $0x4  }
0x18: {  	v11 =	vadd.s32 v5, v11;
	_ =	sdelay $0x4  }
0x19: {  	[tilespmem:v11+s14+$0x0] =	vst.idx.msk $0xffff, v3  }
0x1a: {  	v11 =	vld [tilespmem:$0xA30];
	_ =	sdelay $0x4  }
0x1b: {  	v11 =	vadd.s32 v6, v11;
	_ =	sdelay $0x4  }
0x1c: {  	[tilespmem:v11+s14+$0x0] =	vst.idx.msk $0xffff, v3  }
0x1d: {  	v11 =	vld [tilespmem:$0xA40];
	_ =	sdelay $0x4  }
0x1e: {  	v11 =	vadd.s32 v7, v11;
	_ =	sdelay $0x4  }
0x1f: {  	[tilespmem:v11+s14+$0x0] =	vst.idx.msk $0xffff, v3  }
0x20: {  	v11 =	vld [tilespmem:$0xA50];
	_ =	sdelay $0x4  }
0x21: {  	v11 =	vadd.s32 v8, v11;
	_ =	sdelay $0x4  }
0x22: {  	[tilespmem:v11+s14+$0x0] =	vst.idx.msk $0xffff, v3  }
0x23: {  	v11 =	vld [tilespmem:$0xA60];
	_ =	sdelay $0x4  }
0x24: {  	v11 =	vadd.s32 v9, v11;
	_ =	sdelay $0x4  }
0x25: {  	[tilespmem:v11+s14+$0x0] =	vst.idx.msk $0xffff, v3  }
0x26: {  	v11 =	vld [tilespmem:$0xA70];
	_ =	sdelay $0x4  }
0x27: {  	v11 =	vadd.s32 v10, v11;
	_ =	sdelay $0x4  }
0x28: {  	[tilespmem:v11+s14+$0x0] =	vst.idx.msk $0xffff, v3  }
0x29: {  	v11 =	vld [tilespmem:$0xA80];
	_ =	sdelay $0x4  }
0x2a: {  	v11 =	vadd.s32 v0, v11;
	_ =	sdelay $0x4  }
0x2b: {  	[tilespmem:v11+s14+$0x0] =	vst.idx.msk $0xffff, v3  }
0x2c: {  	v11 =	vld [tilespmem:$0xA90];
	_ =	sdelay $0x4  }
0x2d: {  	v11 =	vadd.s32 v4, v11;
	_ =	sdelay $0x4  }
0x2e: {  	[tilespmem:v11+s14+$0x0] =	vst.idx.msk $0xffff, v3  }
0x2f: {  	v11 =	vld [tilespmem:$0xAA0];
	_ =	sdelay $0x4  }
0x30: {  	v11 =	vadd.s32 v5, v11;
	_ =	sdelay $0x4  }
0x31: {  	[tilespmem:v11+s14+$0x0] =	vst.idx.msk $0xffff, v3  }
0x32: {  	v11 =	vld [tilespmem:$0xAB0];
	_ =	sdelay $0x4  }
0x33: {  	v11 =	vadd.s32 v6, v11;
	_ =	sdelay $0x4  }
0x34: {  	[tilespmem:v11+s14+$0x0] =	vst.idx.msk $0xffff, v3  }
0x35: {  	v11 =	vld [tilespmem:$0xAC0];
	_ =	sdelay $0x4  }
0x36: {  	v11 =	vadd.s32 v7, v11;
	_ =	sdelay $0x4  }
0x37: {  	[tilespmem:v11+s14+$0x0] =	vst.idx.msk $0xffff, v3  }
0x38: {  	v11 =	vld [tilespmem:$0xAD0];
	_ =	sdelay $0x4  }
0x39: {  	v11 =	vadd.s32 v8, v11;
	_ =	sdelay $0x4  }
0x3a: {  	[tilespmem:v11+s14+$0x0] =	vst.idx.msk $0xffff, v3  }
0x3b: {  	v11 =	vld [tilespmem:$0xAE0];
	_ =	sdelay $0x4  }
0x3c: {  	v11 =	vadd.s32 v9, v11;
	_ =	sdelay $0x4  }
0x3d: {  	[tilespmem:v11+s14+$0x0] =	vst.idx.msk $0xffff, v3  }
0x3e: {  	v11 =	vld [tilespmem:$0xAF0];
	_ =	sdelay $0x4  }
0x3f: {  	v11 =	vadd.s32 v10, v11;
	_ =	sdelay $0x4  }
0x40: {  	[tilespmem:v11+s14+$0x0] =	vst.idx.msk $0xffff, v3  }
0x41: {  	v11 =	vld [tilespmem:$0xB00];
	_ =	sdelay $0x4  }
0x42: {  	v11 =	vadd.s32 v0, v11;
	_ =	sdelay $0x4  }
0x43: {  	[tilespmem:v11+s14+$0x0] =	vst.idx.msk $0xffff, v3  }
0x44: {  	v11 =	vld [tilespmem:$0xB10];
	_ =	sdelay $0x4  }
0x45: {  	v11 =	vadd.s32 v4, v11;
	_ =	sdelay $0x4  }
0x46: {  	[tilespmem:v11+s14+$0x0] =	vst.idx.msk $0xffff, v3  }
0x47: {  	v11 =	vld [tilespmem:$0xB20];
	_ =	sdelay $0x4  }
0x48: {  	v11 =	vadd.s32 v5, v11;
	_ =	sdelay $0x4  }
0x49: {  	[tilespmem:v11+s14+$0x0] =	vst.idx.msk $0xffff, v3  }
0x4a: {  	v11 =	vld [tilespmem:$0xB30];
	_ =	sdelay $0x4  }
0x4b: {  	v11 =	vadd.s32 v6, v11;
	_ =	sdelay $0x4  }
0x4c: {  	[tilespmem:v11+s14+$0x0] =	vst.idx.msk $0xffff, v3  }
0x4d: {  	v11 =	vld [tilespmem:$0xB40];
	_ =	sdelay $0x4  }
0x4e: {  	v11 =	vadd.s32 v7, v11;
	_ =	sdelay $0x4  }
0x4f: {  	[tilespmem:v11+s14+$0x0] =	vst.idx.msk $0xffff, v3  }
0x50: {  	v11 =	vld [tilespmem:$0xB50];
	_ =	sdelay $0x4  }
0x51: {  	v11 =	vadd.s32 v8, v11;
	_ =	sdelay $0x4  }
0x52: {  	[tilespmem:v11+s14+$0x0] =	vst.idx.msk $0xffff, v3  }
0x53: {  	v11 =	vld [tilespmem:$0xB60];
	_ =	sdelay $0x4  }
0x54: {  	v11 =	vadd.s32 v9, v11;
	_ =	sdelay $0x4  }
0x55: {  	[tilespmem:v11+s14+$0x0] =	vst.idx.msk $0xffff, v3  }
0x56: {  	v11 =	vld [tilespmem:$0xB70];
	_ =	sdelay $0x4  }
0x57: {  	v11 =	vadd.s32 v10, v11;
	_ =	sdelay $0x4  }
0x58: {  	[tilespmem:v11+s14+$0x0] =	vst.idx.msk $0xffff, v3  }
0x59: {  	v11 =	vld [tilespmem:$0xB80];
	_ =	sdelay $0x4  }
0x5a: {  	v11 =	vadd.s32 v0, v11;
	_ =	sdelay $0x4  }
0x5b: {  	[tilespmem:v11+s14+$0x0] =	vst.idx.msk $0xffff, v3  }
0x5c: {  	v11 =	vld [tilespmem:$0xB90];
	_ =	sdelay $0x4  }
0x5d: {  	v11 =	vadd.s32 v4, v11;
	_ =	sdelay $0x4  }
0x5e: {  	[tilespmem:v11+s14+$0x0] =	vst.idx.msk $0xffff, v3  }
0x5f: {  	v11 =	vld [tilespmem:$0xBA0];
	_ =	sdelay $0x4  }
0x60: {  	v11 =	vadd.s32 v5, v11;
	_ =	sdelay $0x4  }
0x61: {  	[tilespmem:v11+s14+$0x0] =	vst.idx.msk $0xffff, v3  }
0x62: {  	v11 =	vld [tilespmem:$0xBB0];
	_ =	sdelay $0x4  }
0x63: {  	v11 =	vadd.s32 v6, v11;
	_ =	sdelay $0x4  }
0x64: {  	[tilespmem:v11+s14+$0x0] =	vst.idx.msk $0xffff, v3  }
0x65: {  	v11 =	vld [tilespmem:$0xBC0];
	_ =	sdelay $0x4  }
0x66: {  	v11 =	vadd.s32 v7, v11;
	_ =	sdelay $0x4  }
0x67: {  	[tilespmem:v11+s14+$0x0] =	vst.idx.msk $0xffff, v3  }
0x68: {  	v11 =	vld [tilespmem:$0xBD0];
	_ =	sdelay $0x4  }
0x69: {  	v11 =	vadd.s32 v8, v11;
	_ =	sdelay $0x4  }
0x6a: {  	[tilespmem:v11+s14+$0x0] =	vst.idx.msk $0xffff, v3  }
0x6b: {  	v11 =	vld [tilespmem:$0xBE0];
	_ =	sdelay $0x4  }
0x6c: {  	v11 =	vadd.s32 v9, v11;
	_ =	sdelay $0x4  }
0x6d: {  	[tilespmem:v11+s14+$0x0] =	vst.idx.msk $0xffff, v3  }
0x6e: {  	v11 =	vld [tilespmem:$0xBF0];
	_ =	sdelay $0x4  }
0x6f: {  	v11 =	vadd.s32 v10, v11;
	_ =	sdelay $0x4  }
0x70: {  	[tilespmem:v11+s14+$0x0] =	vst.idx.msk $0xffff, v3  }
0x71: {  	v11 =	vld [tilespmem:$0xC00];
	_ =	sdelay $0x4  }
0x72: {  	v11 =	vadd.s32 v0, v11;
	_ =	sdelay $0x4  }
0x73: {  	[tilespmem:v11+s14+$0x0] =	vst.idx.msk $0xffff, v3  }
0x74: {  	v11 =	vld [tilespmem:$0xC10];
	_ =	sdelay $0x4  }
0x75: {  	v11 =	vadd.s32 v4, v11;
	_ =	sdelay $0x4  }
0x76: {  	[tilespmem:v11+s14+$0x0] =	vst.idx.msk $0xffff, v3  }
0x77: {  	v11 =	vld [tilespmem:$0xC20];
	_ =	sdelay $0x4  }
0x78: {  	v11 =	vadd.s32 v5, v11;
	_ =	sdelay $0x4  }
0x79: {  	[tilespmem:v11+s14+$0x0] =	vst.idx.msk $0xffff, v3  }
0x7a: {  	v11 =	vld [tilespmem:$0xC30];
	_ =	sdelay $0x4  }
0x7b: {  	v11 =	vadd.s32 v6, v11;
	_ =	sdelay $0x4  }
0x7c: {  	[tilespmem:v11+s14+$0x0] =	vst.idx.msk $0xffff, v3  }
0x7d: {  	v11 =	vld [tilespmem:$0xC40];
	_ =	sdelay $0x4  }
0x7e: {  	v11 =	vadd.s32 v7, v11;
	_ =	sdelay $0x4  }
0x7f: {  	[tilespmem:v11+s14+$0x0] =	vst.idx.msk $0xffff, v3  }
0x80: {  	v11 =	vld [tilespmem:$0xC50];
	_ =	sdelay $0x4  }
0x81: {  	v11 =	vadd.s32 v8, v11;
	_ =	sdelay $0x4  }
0x82: {  	[tilespmem:v11+s14+$0x0] =	vst.idx.msk $0xffff, v3  }
0x83: {  	v11 =	vld [tilespmem:$0xC60];
	_ =	sdelay $0x4  }
0x84: {  	v11 =	vadd.s32 v9, v11;
	_ =	sdelay $0x4  }
0x85: {  	[tilespmem:v11+s14+$0x0] =	vst.idx.msk $0xffff, v3  }
0x86: {  	v11 =	vld [tilespmem:$0xC70];
	_ =	sdelay $0x4  }
0x87: {  	v11 =	vadd.s32 v10, v11;
	_ =	sdelay $0x4  }
0x88: {  	[tilespmem:v11+s14+$0x0] =	vst.idx.msk $0xffff, v3  }
0x89: {  	v11 =	vld [tilespmem:$0xC80];
	_ =	sdelay $0x4  }
0x8a: {  	v11 =	vadd.s32 v0, v11;
	_ =	sdelay $0x4  }
0x8b: {  	[tilespmem:v11+s14+$0x0] =	vst.idx.msk $0xffff, v3  }
0x8c: {  	v11 =	vld [tilespmem:$0xC90];
	_ =	sdelay $0x4  }
0x8d: {  	v11 =	vadd.s32 v4, v11;
	_ =	sdelay $0x4  }
0x8e: {  	[tilespmem:v11+s14+$0x0] =	vst.idx.msk $0xffff, v3  }
0x8f: {  	v11 =	vld [tilespmem:$0xCA0];
	_ =	sdelay $0x4  }
0x90: {  	v11 =	vadd.s32 v5, v11;
	_ =	sdelay $0x4  }
0x91: {  	[tilespmem:v11+s14+$0x0] =	vst.idx.msk $0xffff, v3  }
0x92: {  	v11 =	vld [tilespmem:$0xCB0];
	_ =	sdelay $0x4  }
0x93: {  	v11 =	vadd.s32 v6, v11;
	_ =	sdelay $0x4  }
0x94: {  	[tilespmem:v11+s14+$0x0] =	vst.idx.msk $0xffff, v3  }
0x95: {  	v11 =	vld [tilespmem:$0xCC0];
	_ =	sdelay $0x4  }
0x96: {  	v11 =	vadd.s32 v7, v11;
	_ =	sdelay $0x4  }
0x97: {  	[tilespmem:v11+s14+$0x0] =	vst.idx.msk $0xffff, v3  }
0x98: {  	v11 =	vld [tilespmem:$0xCD0];
	_ =	sdelay $0x4  }
0x99: {  	v11 =	vadd.s32 v8, v11;
	_ =	sdelay $0x4  }
0x9a: {  	[tilespmem:v11+s14+$0x0] =	vst.idx.msk $0xffff, v3  }
0x9b: {  	v11 =	vld [tilespmem:$0xCE0];
	_ =	sdelay $0x4  }
0x9c: {  	v11 =	vadd.s32 v9, v11;
	_ =	sdelay $0x4  }
0x9d: {  	[tilespmem:v11+s14+$0x0] =	vst.idx.msk $0xffff, v3  }
0x9e: {  	v11 =	vld [tilespmem:$0xCF0];
	_ =	sdelay $0x4  }
0x9f: {  	v11 =	vadd.s32 v10, v11;
	_ =	sdelay $0x4  }
0xa0: {  	[tilespmem:v11+s14+$0x0] =	vst.idx.msk $0xffff, v3  }
0xa1: {  	v11 =	vld [tilespmem:$0xD00];
	_ =	sdelay $0x4  }
0xa2: {  	v11 =	vadd.s32 v0, v11;
	_ =	sdelay $0x4  }
0xa3: {  	[tilespmem:v11+s14+$0x0] =	vst.idx.msk $0xffff, v3  }
0xa4: {  	v11 =	vld [tilespmem:$0xD10];
	_ =	sdelay $0x4  }
0xa5: {  	v11 =	vadd.s32 v4, v11;
	_ =	sdelay $0x4  }
0xa6: {  	[tilespmem:v11+s14+$0x0] =	vst.idx.msk $0xffff, v3  }
0xa7: {  	v11 =	vld [tilespmem:$0xD20];
	_ =	sdelay $0x4  }
0xa8: {  	v11 =	vadd.s32 v5, v11;
	_ =	sdelay $0x4  }
0xa9: {  	[tilespmem:v11+s14+$0x0] =	vst.idx.msk $0xffff, v3  }
0xaa: {  	v11 =	vld [tilespmem:$0xD30];
	_ =	sdelay $0x4  }
0xab: {  	v11 =	vadd.s32 v6, v11;
	_ =	sdelay $0x4  }
0xac: {  	[tilespmem:v11+s14+$0x0] =	vst.idx.msk $0xffff, v3  }
0xad: {  	v11 =	vld [tilespmem:$0xD40];
	_ =	sdelay $0x4  }
0xae: {  	v11 =	vadd.s32 v7, v11;
	_ =	sdelay $0x4  }
0xaf: {  	[tilespmem:v11+s14+$0x0] =	vst.idx.msk $0xffff, v3  }
0xb0: {  	v11 =	vld [tilespmem:$0xD50];
	_ =	sdelay $0x4  }
0xb1: {  	v11 =	vadd.s32 v8, v11;
	_ =	sdelay $0x4  }
0xb2: {  	[tilespmem:v11+s14+$0x0] =	vst.idx.msk $0xffff, v3  }
0xb3: {  	v11 =	vld [tilespmem:$0xD60];
	_ =	sdelay $0x4  }
0xb4: {  	v11 =	vadd.s32 v9, v11;
	_ =	sdelay $0x4  }
0xb5: {  	[tilespmem:v11+s14+$0x0] =	vst.idx.msk $0xffff, v3  }
0xb6: {  	v11 =	vld [tilespmem:$0xD70];
	_ =	sdelay $0x4  }
0xb7: {  	v11 =	vadd.s32 v10, v11;
	_ =	sdelay $0x4  }
0xb8: {  	[tilespmem:v11+s14+$0x0] =	vst.idx.msk $0xffff, v3  }
0xb9: {  	v11 =	vld [tilespmem:$0xD80];
	_ =	sdelay $0x4  }
0xba: {  	v11 =	vadd.s32 v0, v11;
	_ =	sdelay $0x4  }
0xbb: {  	[tilespmem:v11+s14+$0x0] =	vst.idx.msk $0xffff, v3  }
0xbc: {  	v11 =	vld [tilespmem:$0xD90];
	_ =	sdelay $0x4  }
0xbd: {  	v11 =	vadd.s32 v4, v11;
	_ =	sdelay $0x4  }
0xbe: {  	[tilespmem:v11+s14+$0x0] =	vst.idx.msk $0xffff, v3  }
0xbf: {  	v11 =	vld [tilespmem:$0xDA0];
	_ =	sdelay $0x4  }
0xc0: {  	v11 =	vadd.s32 v5, v11;
	_ =	sdelay $0x4  }
0xc1: {  	[tilespmem:v11+s14+$0x0] =	vst.idx.msk $0xffff, v3  }
0xc2: {  	v11 =	vld [tilespmem:$0xDB0];
	_ =	sdelay $0x4  }
0xc3: {  	v11 =	vadd.s32 v6, v11;
	_ =	sdelay $0x4  }
0xc4: {  	[tilespmem:v11+s14+$0x0] =	vst.idx.msk $0xffff, v3  }
0xc5: {  	v11 =	vld [tilespmem:$0xDC0];
	_ =	sdelay $0x4  }
0xc6: {  	v11 =	vadd.s32 v7, v11;
	_ =	sdelay $0x4  }
0xc7: {  	[tilespmem:v11+s14+$0x0] =	vst.idx.msk $0xffff, v3  }
0xc8: {  	v11 =	vld [tilespmem:$0xDD0];
	_ =	sdelay $0x4  }
0xc9: {  	v11 =	vadd.s32 v8, v11;
	_ =	sdelay $0x4  }
0xca: {  	[tilespmem:v11+s14+$0x0] =	vst.idx.msk $0xffff, v3  }
0xcb: {  	v11 =	vld [tilespmem:$0xDE0];
	_ =	sdelay $0x4  }
0xcc: {  	v11 =	vadd.s32 v9, v11;
	_ =	sdelay $0x4  }
0xcd: {  	[tilespmem:v11+s14+$0x0] =	vst.idx.msk $0xffff, v3  }
0xce: {  	v11 =	vld [tilespmem:$0xDF0];
	_ =	sdelay $0x4  }
0xcf: {  	v11 =	vadd.s32 v10, v11;
	_ =	sdelay $0x4  }
0xd0: {  	[tilespmem:v11+s14+$0x0] =	vst.idx.msk $0xffff, v3  }
0xd1: {  	v11 =	vld [tilespmem:$0xE00];
	_ =	sdelay $0x4  }
0xd2: {  	v11 =	vadd.s32 v0, v11;
	_ =	sdelay $0x4  }
0xd3: {  	[tilespmem:v11+s14+$0x0] =	vst.idx.msk $0xffff, v3  }
0xd4: {  	v11 =	vld [tilespmem:$0xE10];
	_ =	sdelay $0x4  }
0xd5: {  	v11 =	vadd.s32 v4, v11;
	_ =	sdelay $0x4  }
0xd6: {  	[tilespmem:v11+s14+$0x0] =	vst.idx.msk $0xffff, v3  }
0xd7: {  	v11 =	vld [tilespmem:$0xE20];
	_ =	sdelay $0x4  }
0xd8: {  	v11 =	vadd.s32 v5, v11;
	_ =	sdelay $0x4  }
0xd9: {  	[tilespmem:v11+s14+$0x0] =	vst.idx.msk $0xffff, v3  }
0xda: {  	v11 =	vld [tilespmem:$0xE30];
	_ =	sdelay $0x4  }
0xdb: {  	v11 =	vadd.s32 v6, v11;
	_ =	sdelay $0x4  }
0xdc: {  	[tilespmem:v11+s14+$0x0] =	vst.idx.msk $0xffff, v3  }
0xdd: {  	v11 =	vld [tilespmem:$0xE40];
	_ =	sdelay $0x4  }
0xde: {  	v11 =	vadd.s32 v7, v11;
	_ =	sdelay $0x4  }
0xdf: {  	[tilespmem:v11+s14+$0x0] =	vst.idx.msk $0xffff, v3  }
0xe0: {  	v11 =	vld [tilespmem:$0xE50];
	_ =	sdelay $0x4  }
0xe1: {  	v11 =	vadd.s32 v8, v11;
	_ =	sdelay $0x4  }
0xe2: {  	[tilespmem:v11+s14+$0x0] =	vst.idx.msk $0xffff, v3  }
0xe3: {  	v11 =	vld [tilespmem:$0xE60];
	_ =	sdelay $0x4  }
0xe4: {  	v11 =	vadd.s32 v9, v11;
	_ =	sdelay $0x4  }
0xe5: {  	[tilespmem:v11+s14+$0x0] =	vst.idx.msk $0xffff, v3  }
0xe6: {  	v11 =	vld [tilespmem:$0xE70];
	_ =	sdelay $0x4  }
0xe7: {  	v11 =	vadd.s32 v10, v11;
	_ =	sdelay $0x4  }
0xe8: {  	[tilespmem:v11+s14+$0x0] =	vst.idx.msk $0xffff, v3  }
0xe9: {  	v11 =	vld [tilespmem:$0xE80];
	_ =	sdelay $0x4  }
0xea: {  	v11 =	vadd.s32 v0, v11;
	_ =	sdelay $0x4  }
0xeb: {  	[tilespmem:v11+s14+$0x0] =	vst.idx.msk $0xffff, v3  }
0xec: {  	v11 =	vld [tilespmem:$0xE90];
	_ =	sdelay $0x4  }
0xed: {  	v11 =	vadd.s32 v4, v11;
	_ =	sdelay $0x4  }
0xee: {  	[tilespmem:v11+s14+$0x0] =	vst.idx.msk $0xffff, v3  }
0xef: {  	v11 =	vld [tilespmem:$0xEA0];
	_ =	sdelay $0x4  }
0xf0: {  	v11 =	vadd.s32 v5, v11;
	_ =	sdelay $0x4  }
0xf1: {  	[tilespmem:v11+s14+$0x0] =	vst.idx.msk $0xffff, v3  }
0xf2: {  	v11 =	vld [tilespmem:$0xEB0];
	_ =	sdelay $0x4  }
0xf3: {  	v11 =	vadd.s32 v6, v11;
	_ =	sdelay $0x4  }
0xf4: {  	[tilespmem:v11+s14+$0x0] =	vst.idx.msk $0xffff, v3  }
0xf5: {  	v11 =	vld [tilespmem:$0xEC0];
	_ =	sdelay $0x4  }
0xf6: {  	v11 =	vadd.s32 v7, v11;
	_ =	sdelay $0x4  }
0xf7: {  	[tilespmem:v11+s14+$0x0] =	vst.idx.msk $0xffff, v3  }
0xf8: {  	v11 =	vld [tilespmem:$0xED0];
	_ =	sdelay $0x4  }
0xf9: {  	v11 =	vadd.s32 v8, v11;
	_ =	sdelay $0x4  }
0xfa: {  	[tilespmem:v11+s14+$0x0] =	vst.idx.msk $0xffff, v3  }
0xfb: {  	v11 =	vld [tilespmem:$0xEE0];
	_ =	sdelay $0x4  }
0xfc: {  	v11 =	vadd.s32 v9, v11;
	_ =	sdelay $0x4  }
0xfd: {  	[tilespmem:v11+s14+$0x0] =	vst.idx.msk $0xffff, v3  }
0xfe: {  	v11 =	vld [tilespmem:$0xEF0];
	_ =	sdelay $0x4  }
0xff: {  	v11 =	vadd.s32 v10, v11;
	_ =	sdelay $0x4  }
0x100: {  	s15 =	smov.u32 s5;
	[tilespmem:v11+s14+$0x0] =	vst.idx.msk $0xffff, v3  }
.LBB2_8:
0x101: {  	s13 =	sadd.s32 $0x1, s13  }
0x102: {  	p1 =	sne.s32 s13, s8  }
.Ltmp1:
0x103: {  	_ = 	snop;
	(pc) =	sbr.rel @!p1 .LBB2_9-.Ltmp1, $4  }
0x104: {  	[hbm4b:s15+s2] =	stream.linear.scatter [tilespmem:s14], [sflag:$0x1], $0x8000, $0x38;
	[tilespmem:$0x10F00] =	vst v63  }
0x105: {  	_ =	swait.ge [sflag:s9], $0x8000  }
0x106: {  	[sflag:s9] =	ssyncset.done $0x0  }
0x107: {  	[sflag:s9] =	ssyncadd.s32 $0xFFFF8000  }
.LBB2_1:
.Ltmp2:
0x108: {  	(pc) =	sbr.rel @p0 .LBB2_5-.Ltmp2, $1  }
0x109: {  	_ =	sdelay $0x3  }
0x10a: {  	s14 =	simm.s32 $0x0  }
0x10b: {  	[tilespmem:s14], [sflag:$0x1] =	stream.linear.gather [hbm4b:s3+s14], $0xA00, $0x38;
	[tilespmem:$0x10F00] =	vst v63  }
0x10c: {  	_ =	swait.ge [sflag:s9], $0xA00  }
0x10d: {  	[sflag:s9] =	ssyncset.done $0x0  }
0x10e: {  	s15 =	simm.s32 $0x0;
	s14 =	simm.s32 $0x40;
	[sflag:s9] =	ssyncadd.s32 $0xFFFFF600  }
.LBB2_3:
0x10f: {  	p1 =	sne.s32 s14, $0x1FFC0;
	[tilespmem:s15+$0xF00] =	vst v1;
	s15 =	smov.u32 s14;
	s14 =	sadd.s32 $0x40, s14  }
.Ltmp3:
0x110: {  	(pc) =	sbr.rel @p1 .LBB2_3-.Ltmp3, $2  }
0x111: {  	_ =	sdelay $0x2  }
0x112: {  	s15 =	sshra.s32 s15, $0x2  }
0x113: {  	[tilespmem:s15+$0xF00] =	vst v1  }
0x114: {  	v11 =	vld [tilespmem:s6+$0x0];
	_ =	sdelay $0x4  }
0x115: {  	v11 =	vadd.s32 v2, v11;
	_ =	sdelay $0x3  }
0x116: {  	s14 =	simm.s32 $0xF00  }
0x117: {  	[tilespmem:v11+s14+$0x0] =	vst.idx.msk $0xffff, v3  }
0x118: {  	v11 =	vld [tilespmem:s6+$0x100];
	_ =	sdelay $0x4  }
0x119: {  	v11 =	vadd.s32 v2, v11;
	_ =	sdelay $0x4  }
0x11a: {  	[tilespmem:v11+s14+$0x0] =	vst.idx.msk $0xffff, v3  }
0x11b: {  	v11 =	vld [tilespmem:s6+$0x200];
	_ =	sdelay $0x4  }
0x11c: {  	v11 =	vadd.s32 v2, v11;
	_ =	sdelay $0x4  }
0x11d: {  	[tilespmem:v11+s14+$0x0] =	vst.idx.msk $0xffff, v3  }
0x11e: {  	v11 =	vld [tilespmem:s6+$0x300];
	_ =	sdelay $0x4  }
0x11f: {  	v11 =	vadd.s32 v2, v11;
	_ =	sdelay $0x4  }
0x120: {  	[tilespmem:v11+s14+$0x0] =	vst.idx.msk $0xffff, v3  }
0x121: {  	v11 =	vld [tilespmem:s6+$0x400];
	_ =	sdelay $0x4  }
0x122: {  	v11 =	vadd.s32 v2, v11;
	_ =	sdelay $0x4  }
0x123: {  	[tilespmem:v11+s14+$0x0] =	vst.idx.msk $0xffff, v3  }
0x124: {  	v11 =	vld [tilespmem:s6+$0x500];
	_ =	sdelay $0x4  }
0x125: {  	v11 =	vadd.s32 v2, v11;
	_ =	sdelay $0x4  }
0x126: {  	[tilespmem:v11+s14+$0x0] =	vst.idx.msk $0xffff, v3  }
0x127: {  	v11 =	vld [tilespmem:s6+$0x600];
	_ =	sdelay $0x4  }
0x128: {  	v11 =	vadd.s32 v2, v11;
	_ =	sdelay $0x4  }
0x129: {  	[tilespmem:v11+s14+$0x0] =	vst.idx.msk $0xffff, v3  }
0x12a: {  	v11 =	vld [tilespmem:s6+$0x700];
	_ =	sdelay $0x4  }
0x12b: {  	v11 =	vadd.s32 v2, v11;
	_ =	sdelay $0x4  }
0x12c: {  	[tilespmem:v11+s14+$0x0] =	vst.idx.msk $0xffff, v3  }
0x12d: {  	v11 =	vld [tilespmem:s6+$0x800];
	_ =	sdelay $0x4  }
0x12e: {  	v11 =	vadd.s32 v2, v11;
	_ =	sdelay $0x4  }
0x12f: {  	[tilespmem:v11+s14+$0x0] =	vst.idx.msk $0xffff, v3  }
0x130: {  	v11 =	vld [tilespmem:s6+$0x900];
	_ =	sdelay $0x4  }
0x131: {  	v11 =	vadd.s32 v2, v11  }
.Ltmp4:
0x132: {  	_ = 	snop;
	(pc) =	sbr.rel .LBB2_8-.Ltmp4, $2  }
0x133: {  	_ =	sdelay $0x2  }
0x134: {  	s15 =	smov.u32 s7;
	[tilespmem:v11+s14+$0x0] =	vst.idx.msk $0xffff, v3  }
.LBB2_5:
0x135: {  	[tilespmem:s12], [sflag:$0x1] =	stream.strided.gather [hbm4b:s4+s10], $0x500, s11, s10, $0x38;
	[tilespmem:$0x10F00] =	vst v63  }
0x136: {  	_ =	swait.ge [sflag:s9], $0x500  }
0x137: {  	[sflag:s9] =	ssyncset.done $0x0  }
0x138: {  	s14 =	simm.s32 $0x40;
	s15 =	simm.s32 $0x0;
	[sflag:s9] =	ssyncadd.s32 $0xFFFFFB00  }
.LBB2_6:
0x139: {  	p1 =	sne.s32 s14, $0x1FFC0;
	[tilespmem:s15+$0x8F00] =	vst v1;
	s15 =	smov.u32 s14;
	s14 =	sadd.s32 $0x40, s14  }
.Ltmp5:
0x13a: {  	(pc) =	sbr.rel @p1 .LBB2_6-.Ltmp5, $2  }
0x13b: {  	_ =	sdelay $0x2  }
0x13c: {  	s15 =	sshra.s32 s15, $0x2  }
.Ltmp6:
0x13d: {  	_ = 	snop;
	(pc) =	sbr.rel .LBB2_7-.Ltmp6, $1  }
0x13e: {  	_ =	sdelay $0x3  }
.LBB2_9:
0x13f: {  	_ =	sfence.sel $0x180000  }
0x140: {  	[bflag:$0x0] =	sbarrier.arrive $0xFFFF  }
0x141: {  	p0 =	sne.s32 s1, $0x0;
	_ =	strace $0x90000047  }
0x142: {  	s0 =	sadd.s32 @!p0 $0x100000, s0;
	[bflag:$0x2] =	sbarrier.arrive $0xFFFF  }
0x143: {  	[sflag:s0] =	ssyncadd.tile.s32 @!p0 $0x1;
	_ =	shalt  }
.Lfunc_end2:
_tile_overlayer_lowered:
.L_overlay_start_2:
0x144: {  	(tag) =	ssettag $0x2  }
0x145: {  	s0 =	rddreg [dreg:$0x0];
	s2 =	stileid.u32  }
0x146: {  	s1 =	rddreg [dreg:$0x1];
	p0 =	sne.s32 s2, $0x0  }
0x147: {  	s3 =	rddreg [dreg:$0x2];
	[bflag:$0x3] =	sbarrier.arrive $0xFFFF;
	s2 =	simm.s32 @!p0 $0x1C01  }
0x148: {  	[timem:s3], [sflag:s2] =	dma.local @!p0 [hbm:s0], s1  }
0x149: {  	s0 =	simm.s32 @!p0 $0x1  }
0x14a: {  	_ =	swait.ge @!p0 [sflag:s0], s1  }
0x14b: {  	s1 =	ssub.s32 @!p0 $0x0, s1;
	[sflag:s0] =	ssyncset.done @!p0 $0x0  }
0x14c: {  	[sflag:s0] =	ssyncadd.s32 @!p0 s1  }
0x14d: {  	[bflag:$0x3] =	sbarrier.arrive $0xFFFF  }
0x14e: {  	_ =	shalt  }

</sc_bundles>
